<compile_context>
chip_gen: v7x
topology: tpu7x:2x2x1
jax: 0.10.2.dev20260603
libtpu: 0.0.44.dev20260713+nightly
codegen_flags: <defaults>
</compile_context>

<pallas_src>
import functools

import jax
import jax.numpy as jnp
from jax import lax
from jax.experimental import pallas as pl
from jax.experimental.pallas import tpu as pltpu
from jax.experimental.pallas import tpu_sc as plsc

N = 10000
E = 320000
D = 128

NC = 2
NS = 16
NW = NC * NS
EPW = E // NW
K = 128
CPW = 80
CPP = 16
EPAD = NW * CPW * K
NPAD = 10240
RPW = NPAD // NS
NBINS = 16384
BPT = NBINS // NS

_mesh = plsc.VectorSubcoreMesh(
    core_axis_name="c", subcore_axis_name="s", num_cores=NC, num_subcores=NS
)


@functools.partial(
    pl.kernel,
    out_type=jax.ShapeDtypeStruct((NC, NBINS), jnp.float32),
    mesh=_mesh,
    scratch_types=[
        pltpu.VMEM((NBINS,), jnp.int32),
        pltpu.VMEM((EPW,), jnp.int32),
        pltpu.VMEM((NS, BPT), jnp.int32),
        pltpu.VMEM((BPT,), jnp.float32),
        pltpu.VMEM_SHARED((NS, NBINS), jnp.int32),
    ],
    compiler_params=pltpu.CompilerParams(needs_layout_passes=False),
)
def _deg_call(dst_hbm, out_hbm, hist_v, idx_v, red_v, res_v, stage_sh):
    cid = lax.axis_index("c")
    sid = lax.axis_index("s")
    wid = sid * NC + cid

    zero16 = jnp.zeros((16,), jnp.int32)
    ones16 = jnp.ones((16,), jnp.int32)

    pltpu.sync_copy(dst_hbm.at[pl.ds(pl.multiple_of(wid * EPW, EPW), EPW)], idx_v)

    def _zb(i, carry):
        hist_v[pl.ds(pl.multiple_of(i * 16, 16), 16)] = zero16
        return carry

    lax.fori_loop(0, NBINS // 16, _zb, 0)

    def _acc(i, carry):
        idx16 = idx_v[pl.ds(pl.multiple_of(i * 16, 16), 16)]
        plsc.addupdate_scatter(hist_v, [idx16], ones16)
        return carry

    lax.fori_loop(0, EPW // 16, _acc, 0)

    pltpu.sync_copy(hist_v, stage_sh.at[sid])
    plsc.subcore_barrier()
    pltpu.sync_copy(stage_sh.at[:, pl.ds(sid * BPT, BPT)], red_v)

    def _red(i, carry):
        off = pl.ds(pl.multiple_of(i * 16, 16), 16)
        acc = zero16

        def _rows(r, a):
            return a + red_v[r, off]

        acc = lax.fori_loop(0, NS, _rows, acc)
        res_v[off] = acc.astype(jnp.float32)
        return carry

    lax.fori_loop(0, BPT // 16, _red, 0)
    pltpu.sync_copy(res_v, out_hbm.at[cid, pl.ds(sid * BPT, BPT)])


NBUF = 2


@functools.partial(
    pl.kernel,
    out_type=jax.ShapeDtypeStruct((NC, NPAD, D), jnp.float32),
    mesh=_mesh,
    scratch_types=[
        pltpu.VMEM((CPP, K), jnp.int32),
        pltpu.VMEM((CPP, K), jnp.int32),
        pltpu.VMEM((NBUF, K, D), jnp.float32),
        pltpu.VMEM_SHARED((NPAD, D), jnp.float32),
        pltpu.SemaphoreType.DMA((NBUF,)),
        pltpu.SemaphoreType.DMA((NBUF,)),
    ],
    compiler_params=pltpu.CompilerParams(needs_layout_passes=False),
)
def _scatter_call(g_hbm, src_hbm, dst_hbm, out_hbm, srcv, dstv, ring, acc, gsem, ssem):
    cid = lax.axis_index("c")
    sid = lax.axis_index("s")
    wid = sid * NC + cid

    zero16 = jnp.zeros((16,), jnp.float32)

    def _zb(i, carry):
        ring[0, i >> 3, pl.ds(pl.multiple_of((i & 7) * 16, 16), 16)] = zero16
        return carry

    lax.fori_loop(0, K * (D // 16), _zb, 0)

    def _za(k, carry):
        pltpu.sync_copy(ring.at[0], acc.at[pl.ds(sid * RPW + k * K, K)])
        return carry

    lax.fori_loop(0, RPW // K, _za, 0)
    plsc.subcore_barrier()

    cbase = wid * CPW

    def _gather(c, b):
        pltpu.async_copy(g_hbm.at[srcv.at[c]], ring.at[b], gsem.at[b])

    def _gwait(c, b):
        pltpu.make_async_copy(g_hbm.at[srcv.at[c]], ring.at[b], gsem.at[b]).wait()

    def _scat(c, b):
        pltpu.async_copy(ring.at[b], acc.at[dstv.at[c]], ssem.at[b], add=True)

    def _swait(c, b):
        pltpu.make_async_copy(ring.at[b], acc.at[dstv.at[c]], ssem.at[b]).wait()

    def _phase(p, carry):
        prow = pl.multiple_of(cbase + p * CPP, 8)
        pltpu.sync_copy(src_hbm.at[pl.ds(prow, CPP)], srcv)
        pltpu.sync_copy(dst_hbm.at[pl.ds(prow, CPP)], dstv)

        for b in range(NBUF):
            _gather(b, b)

        def _round(t, c2):
            c0 = t * NBUF
            for b in range(NBUF):
                _gwait(c0 + b, b)
                _scat(c0 + b, b)
            for b in range(NBUF):
                _swait(c0 + b, b)
                _gather(c0 + NBUF + b, b)
            return c2

        lax.fori_loop(0, CPP // NBUF - 1, _round, 0)

        cl = CPP - NBUF
        for b in range(NBUF):
            _gwait(cl + b, b)
            _scat(cl + b, b)
        for b in range(NBUF):
            _swait(cl + b, b)
        return carry

    lax.fori_loop(0, CPW // CPP, _phase, 0)
    plsc.subcore_barrier()

    pltpu.sync_copy(
        acc.at[pl.ds(sid * RPW, RPW)], out_hbm.at[cid, pl.ds(sid * RPW, RPW)]
    )


_ROWS_BLK = 2000


def _mm_body(x_ref, w_ref, deg_ref, g_ref):
    dinv = lax.rsqrt(deg_ref[...])
    g_ref[...] = (
        jnp.dot(x_ref[...], w_ref[...], preferred_element_type=jnp.float32)
        * dinv
    )


def _fin_body(s0_ref, s1_ref, g_ref, deg_ref, b_ref, o_ref):
    dinv = lax.rsqrt(deg_ref[...])
    z = (s0_ref[...] + s1_ref[...] + g_ref[...]) * dinv + b_ref[...]
    o_ref[...] = jnp.where(z > 0, z, jnp.exp(jnp.minimum(z, 0.0)) - 1.0)


def kernel(x, edge_index, W, b):
    src = edge_index[0]
    dst = edge_index[1]
    pad = EPAD - E
    src2d = jnp.concatenate([src, jnp.zeros((pad,), src.dtype)]).reshape(
        EPAD // K, K
    )
    pad_dst = N + (jnp.arange(pad, dtype=dst.dtype) % (NPAD - N))
    dst2d = jnp.concatenate([dst, pad_dst]).reshape(EPAD // K, K)
    src2d = src2d.reshape(CPW, NW, K).transpose(1, 0, 2).reshape(EPAD // K, K)
    dst2d = dst2d.reshape(CPW, NW, K).transpose(1, 0, 2).reshape(EPAD // K, K)

    hp = _deg_call(dst)
    deg_col = ((hp[0] + hp[1])[:N] + 1.0).reshape(N, 1)

    g = pl.pallas_call(
        _mm_body,
        grid=(N // _ROWS_BLK,),
        in_specs=[
            pl.BlockSpec((_ROWS_BLK, D), lambda i: (i, 0)),
            pl.BlockSpec((D, D), lambda i: (0, 0)),
            pl.BlockSpec((_ROWS_BLK, 1), lambda i: (i, 0)),
        ],
        out_specs=pl.BlockSpec((_ROWS_BLK, D), lambda i: (i, 0)),
        out_shape=jax.ShapeDtypeStruct((N, D), jnp.float32),
    )(x, W, deg_col)

    s = _scatter_call(g, src2d, dst2d)
    s0 = s[0, :N]
    s1 = s[1, :N]

    out = pl.pallas_call(
        _fin_body,
        grid=(N // _ROWS_BLK,),
        in_specs=[
            pl.BlockSpec((_ROWS_BLK, D), lambda i: (i, 0)),
            pl.BlockSpec((_ROWS_BLK, D), lambda i: (i, 0)),
            pl.BlockSpec((_ROWS_BLK, D), lambda i: (i, 0)),
            pl.BlockSpec((_ROWS_BLK, 1), lambda i: (i, 0)),
            pl.BlockSpec((1, D), lambda i: (0, 0)),
        ],
        out_specs=pl.BlockSpec((_ROWS_BLK, D), lambda i: (i, 0)),
        out_shape=jax.ShapeDtypeStruct((N, D), jnp.float32),
    )(s0, s1, g, deg_col, b.reshape(1, D))

    return out

# --- scband reference (transcript-rebuilt; emitter-appended) ---
"""Pipeline reference for scband-cgcl-60567628808330 (READ-ONLY COPY).

The authoritative reference and input builder live on the scoring server;
editing this copy changes nothing except your own understanding.
"""

import jax, jax.numpy as jnp
import numpy as np

N = 10000
E = 320000
D_IN = 128
D_OUT = 128

def setup_inputs(seed: int = 0) -> dict:
    key = jax.random.key(seed)
    k1, k2, k3, k4 = jax.random.split(key, 4)
    x = jax.random.normal(k1, (N, D_IN), dtype=jnp.float32)
    edge_index = jax.random.randint(k2, (2, E), 0, N, dtype=jnp.int32)
    # GCNConv parameters (glorot weight, zero bias)
    limit = float(np.sqrt(6.0 / (D_IN + D_OUT)))
    W = jax.random.uniform(k3, (D_IN, D_OUT), dtype=jnp.float32, minval=-limit, maxval=limit)
    b = jnp.zeros((D_OUT,), dtype=jnp.float32)
    return {"x": x, "edge_index": edge_index, "W": W, "b": b}

def reference(x, edge_index, W, b):
    # CGCL.forward with a single GCNConv, eval mode (dropout = identity):
    #   x = GCNConv(x, A_hat); x = ELU(x)
    # GCNConv: D^{-1/2} (A + I) D^{-1/2} X W + b  (symmetric normalization, self-loops)
    src = edge_index[0]
    dst = edge_index[1]
    loop = jnp.arange(N, dtype=edge_index.dtype)
    row = jnp.concatenate([src, loop])
    col = jnp.concatenate([dst, loop])
    # degree over destination (incl. self-loops)
    deg = jnp.zeros((N,), dtype=x.dtype).at[col].add(1.0)
    deg_inv_sqrt = jnp.where(deg > 0, deg ** -0.5, 0.0)
    norm = deg_inv_sqrt[row] * deg_inv_sqrt[col]
    h = x @ W
    msg = jnp.take(h, row, axis=0) * norm[:, None]
    out = jax.ops.segment_sum(msg, col, num_segments=N)
    out = out + b
    out = jax.nn.elu(out)
    return out

if __name__ == "__main__":
    import jax
    _d = setup_inputs()
    print(jax.jit(kernel)(*tuple(_d.values())))

</pallas_src>

<mosaic_0001>
#map = affine_map<(d0, d1) -> (0)>
#map1 = affine_map<(d0, d1) -> (0, 0)>
module attributes {stable_mosaic.version = 14 : i64} {
  func.func @_deg_call(%arg0: i32, %arg1: i32, %arg2: memref<320000xi32, #tpu.memory_space<hbm>>, %arg3: memref<2x16384xf32, #tpu.memory_space<hbm>>, %arg4: memref<16384xi32, #tpu.memory_space<vmem>>, %arg5: memref<10000xi32, #tpu.memory_space<vmem>>, %arg6: memref<16x1024xi32, #tpu.memory_space<vmem>>, %arg7: memref<1024xf32, #tpu.memory_space<vmem>>, %arg8: memref<16x16384xi32, #tpu.memory_space<vmem_shared>>) attributes {dimension_semantics = [#tpu.dimension_semantics<core_parallel>, #tpu.dimension_semantics<subcore_parallel>], iteration_bounds = array<i64: 2, 16>, scalar_prefetch = 0 : i64, scratch_operands = 5 : i64, tpu.core_type = #tpu.core_type<sc_vector_subcore>, window_params = [{transform_indices = #map}, {transform_indices = #map1}]} {
    %mul3A = arith.constant 2 : i32
    %mul3A_0 = arith.muli %arg1, %mul3A : i32
    %add3A = arith.addi %mul3A_0, %arg0 : i32
    %broadcast_in_dim3A = arith.constant 0 : i32
    %broadcast_in_dim3A_1 = vector.broadcast %broadcast_in_dim3A : i32 to vector<16xi32>
    %broadcast_in_dim3A_2 = arith.constant 1 : i32
    %broadcast_in_dim3A_3 = vector.broadcast %broadcast_in_dim3A_2 : i32 to vector<16xi32>
    %mul3A_4 = arith.constant 10000 : i32
    %mul3A_5 = arith.muli %add3A, %mul3A_4 : i32
    %multiple_of3A = tpu.assume_multiple %mul3A_5, 10000 : i32
    "tpu.region"() ({
      %run_scoped3A = tpu.sem_alloc : memref<!tpu.dma_semaphore, #tpu.memory_space<semaphore_mem>>
      %dma_start3A = tpu.memref_slice %arg2[%multiple_of3A] : memref<320000xi32, #tpu.memory_space<hbm>> -> memref<10000xi32, #tpu.memory_space<hbm>>
      %dma_start3A_27 = tpu.memref_slice %arg2[%multiple_of3A] : memref<320000xi32, #tpu.memory_space<hbm>> -> memref<10000xi32, #tpu.memory_space<hbm>>
      tpu.enqueue_dma source(%dma_start3A_27 : memref<10000xi32, #tpu.memory_space<hbm>>) target(%arg5 : memref<10000xi32, #tpu.memory_space<vmem>>) target_semaphore(%run_scoped3A : memref<!tpu.dma_semaphore, #tpu.memory_space<semaphore_mem>>)
      %dma_wait3A = tpu.memref_slice %arg2[%multiple_of3A] : memref<320000xi32, #tpu.memory_space<hbm>> -> memref<10000xi32, #tpu.memory_space<hbm>>
      %dma_wait3A_28 = tpu.memref_slice %arg2[%multiple_of3A] : memref<320000xi32, #tpu.memory_space<hbm>> -> memref<10000xi32, #tpu.memory_space<hbm>>
      tpu.wait_dma2 semaphore(%run_scoped3A : memref<!tpu.dma_semaphore, #tpu.memory_space<semaphore_mem>>) src(%dma_wait3A_28 : memref<10000xi32, #tpu.memory_space<hbm>>) dst(%arg5 : memref<10000xi32, #tpu.memory_space<vmem>>)
      tpu.yield
    }) : () -> ()
    %scan3A = arith.constant 0 : i32
    %scan3A_6 = arith.constant 0 : i32
    %scan3A_7 = arith.constant 1024 : i32
    %scan3A_8 = arith.addi %scan3A_6, %scan3A_7 : i32
    %scan3A_9 = arith.constant 1 : i32
    scf.for %scan3A_27 = %scan3A_6 to %scan3A_8 step %scan3A_9  : i32 {
      %mul3A_28 = arith.constant 16 : i32
      %mul3A_29 = arith.muli %scan3A_27, %mul3A_28 : i32
      %multiple_of3A_30 = tpu.assume_multiple %mul3A_29, 16 : i32
      %swap3A = arith.index_cast %multiple_of3A_30 : i32 to index
      %swap3A_31 = tpu.vector_load %arg4[%swap3A] {strides = array<i32>} : memref<16384xi32, #tpu.memory_space<vmem>>, vector<16xi32>,
      tpu.vector_store %arg4[%swap3A], %broadcast_in_dim3A_1 {strides = array<i32>} : memref<16384xi32, #tpu.memory_space<vmem>>, vector<16xi32>,
    }
    %scan3A_10 = arith.constant 1024 : i32
    %scan3A_11 = arith.constant 0 : i32
    %scan3A_12 = arith.constant 0 : i32
    %scan3A_13 = arith.constant 625 : i32
    %scan3A_14 = arith.addi %scan3A_12, %scan3A_13 : i32
    %scan3A_15 = arith.constant 1 : i32
    scf.for %scan3A_27 = %scan3A_12 to %scan3A_14 step %scan3A_15  : i32 {
      %mul3A_28 = arith.constant 16 : i32
      %mul3A_29 = arith.muli %scan3A_27, %mul3A_28 : i32
      %multiple_of3A_30 = tpu.assume_multiple %mul3A_29, 16 : i32
      %get3A = arith.index_cast %multiple_of3A_30 : i32 to index
      %get3A_31 = tpu.vector_load %arg5[%get3A] {strides = array<i32>} : memref<10000xi32, #tpu.memory_space<vmem>>, vector<16xi32>,
      tpu.vector_store_idx %arg4[%get3A_31], %broadcast_in_dim3A_3 {add = true} : memref<16384xi32, #tpu.memory_space<vmem>>[vector<16xi32>], vector<16xi32>,
    }
    %scan3A_16 = arith.constant 625 : i32
    "tpu.region"() ({
      %run_scoped3A = tpu.sem_alloc : memref<!tpu.dma_semaphore, #tpu.memory_space<semaphore_mem>>
      %dma_start3A = arith.constant 0 : i32
      %dma_start3A_27 = tpu.memref_slice %arg8[%arg1, %dma_start3A] : memref<16x16384xi32, #tpu.memory_space<vmem_shared>> -> memref<1x16384xi32, #tpu.memory_space<vmem_shared>>
      %dma_start3A_28 = tpu.memref_squeeze %dma_start3A_27 : memref<1x16384xi32, #tpu.memory_space<vmem_shared>> -> memref<16384xi32, #tpu.memory_space<vmem_shared>>
      %dma_start3A_29 = arith.constant 0 : i32
      %dma_start3A_30 = tpu.memref_slice %arg8[%arg1, %dma_start3A_29] : memref<16x16384xi32, #tpu.memory_space<vmem_shared>> -> memref<1x16384xi32, #tpu.memory_space<vmem_shared>>
      %dma_start3A_31 = tpu.memref_squeeze %dma_start3A_30 : memref<1x16384xi32, #tpu.memory_space<vmem_shared>> -> memref<16384xi32, #tpu.memory_space<vmem_shared>>
      tpu.enqueue_dma source(%arg4 : memref<16384xi32, #tpu.memory_space<vmem>>) target(%dma_start3A_31 : memref<16384xi32, #tpu.memory_space<vmem_shared>>) target_semaphore(%run_scoped3A : memref<!tpu.dma_semaphore, #tpu.memory_space<semaphore_mem>>)
      %dma_wait3A = arith.constant 0 : i32
      %dma_wait3A_32 = tpu.memref_slice %arg8[%arg1, %dma_wait3A] : memref<16x16384xi32, #tpu.memory_space<vmem_shared>> -> memref<1x16384xi32, #tpu.memory_space<vmem_shared>>
      %dma_wait3A_33 = tpu.memref_squeeze %dma_wait3A_32 : memref<1x16384xi32, #tpu.memory_space<vmem_shared>> -> memref<16384xi32, #tpu.memory_space<vmem_shared>>
      %dma_wait3A_34 = arith.constant 0 : i32
      %dma_wait3A_35 = tpu.memref_slice %arg8[%arg1, %dma_wait3A_34] : memref<16x16384xi32, #tpu.memory_space<vmem_shared>> -> memref<1x16384xi32, #tpu.memory_space<vmem_shared>>
      %dma_wait3A_36 = tpu.memref_squeeze %dma_wait3A_35 : memref<1x16384xi32, #tpu.memory_space<vmem_shared>> -> memref<16384xi32, #tpu.memory_space<vmem_shared>>
      tpu.wait_dma2 semaphore(%run_scoped3A : memref<!tpu.dma_semaphore, #tpu.memory_space<semaphore_mem>>) src(%arg4 : memref<16384xi32, #tpu.memory_space<vmem>>) dst(%dma_wait3A_36 : memref<16384xi32, #tpu.memory_space<vmem_shared>>)
      tpu.yield
    }) : () -> ()
    %barrier3A = arith.constant 0 : index
    tpu.barrier barrier_id(%barrier3A)
    %mul3A_17 = arith.constant 1024 : i32
    %mul3A_18 = arith.muli %arg1, %mul3A_17 : i32
    "tpu.region"() ({
      %run_scoped3A = tpu.sem_alloc : memref<!tpu.dma_semaphore, #tpu.memory_space<semaphore_mem>>
      %dma_start3A = arith.constant 0 : i32
      %dma_start3A_27 = tpu.memref_slice %arg8[%dma_start3A, %mul3A_18] : memref<16x16384xi32, #tpu.memory_space<vmem_shared>> -> memref<16x1024xi32, #tpu.memory_space<vmem_shared>>
      %dma_start3A_28 = arith.constant 0 : i32
      %dma_start3A_29 = tpu.memref_slice %arg8[%dma_start3A_28, %mul3A_18] : memref<16x16384xi32, #tpu.memory_space<vmem_shared>> -> memref<16x1024xi32, #tpu.memory_space<vmem_shared>>
      tpu.enqueue_dma source(%dma_start3A_29 : memref<16x1024xi32, #tpu.memory_space<vmem_shared>>) target(%arg6 : memref<16x1024xi32, #tpu.memory_space<vmem>>) target_semaphore(%run_scoped3A : memref<!tpu.dma_semaphore, #tpu.memory_space<semaphore_mem>>)
      %dma_wait3A = arith.constant 0 : i32
      %dma_wait3A_30 = tpu.memref_slice %arg8[%dma_wait3A, %mul3A_18] : memref<16x16384xi32, #tpu.memory_space<vmem_shared>> -> memref<16x1024xi32, #tpu.memory_space<vmem_shared>>
      %dma_wait3A_31 = arith.constant 0 : i32
      %dma_wait3A_32 = tpu.memref_slice %arg8[%dma_wait3A_31, %mul3A_18] : memref<16x16384xi32, #tpu.memory_space<vmem_shared>> -> memref<16x1024xi32, #tpu.memory_space<vmem_shared>>
      tpu.wait_dma2 semaphore(%run_scoped3A : memref<!tpu.dma_semaphore, #tpu.memory_space<semaphore_mem>>) src(%dma_wait3A_32 : memref<16x1024xi32, #tpu.memory_space<vmem_shared>>) dst(%arg6 : memref<16x1024xi32, #tpu.memory_space<vmem>>)
      tpu.yield
    }) : () -> ()
    %scan3A_19 = arith.constant 0 : i32
    %scan3A_20 = arith.constant 0 : i32
    %scan3A_21 = arith.constant 64 : i32
    %scan3A_22 = arith.addi %scan3A_20, %scan3A_21 : i32
    %scan3A_23 = arith.constant 1 : i32
    scf.for %scan3A_27 = %scan3A_20 to %scan3A_22 step %scan3A_23  : i32 {
      %mul3A_28 = arith.constant 16 : i32
      %mul3A_29 = arith.muli %scan3A_27, %mul3A_28 : i32
      %multiple_of3A_30 = tpu.assume_multiple %mul3A_29, 16 : i32
      %scan3A_31 = arith.constant 0 : i32
      %scan3A_32 = arith.constant 16 : i32
      %scan3A_33 = arith.addi %scan3A_31, %scan3A_32 : i32
      %scan3A_34 = arith.constant 1 : i32
      %scan3A_35 = scf.for %scan3A_38 = %scan3A_31 to %scan3A_33 step %scan3A_34 iter_args(%scan3A_39 = %broadcast_in_dim3A_1) -> (vector<16xi32>)  : i32 {
        %get3A = arith.index_cast %scan3A_38 : i32 to index
        %get3A_40 = arith.index_cast %multiple_of3A_30 : i32 to index
        %get3A_41 = tpu.vector_load %arg6[%get3A, %get3A_40] {strides = array<i32>} : memref<16x1024xi32, #tpu.memory_space<vmem>>, vector<16xi32>,
        %add3A_42 = arith.addi %scan3A_39, %get3A_41 : vector<16xi32>
        scf.yield %add3A_42 : vector<16xi32>
      }
      %scan3A_36 = arith.constant 16 : i32
      %convert_element_type3A = arith.sitofp %scan3A_35 : vector<16xi32> to vector<16xf32>
      %swap3A = arith.index_cast %multiple_of3A_30 : i32 to index
      %swap3A_37 = tpu.vector_load %arg7[%swap3A] {strides = array<i32>} : memref<1024xf32, #tpu.memory_space<vmem>>, vector<16xf32>,
      tpu.vector_store %arg7[%swap3A], %convert_element_type3A {strides = array<i32>} : memref<1024xf32, #tpu.memory_space<vmem>>, vector<16xf32>,
    }
    %scan3A_24 = arith.constant 64 : i32
    %mul3A_25 = arith.constant 1024 : i32
    %mul3A_26 = arith.muli %arg1, %mul3A_25 : i32
    "tpu.region"() ({
      %run_scoped3A = tpu.sem_alloc : memref<!tpu.dma_semaphore, #tpu.memory_space<semaphore_mem>>
      %dma_start3A = tpu.memref_slice %arg3[%arg0, %mul3A_26] : memref<2x16384xf32, #tpu.memory_space<hbm>> -> memref<1x1024xf32, #tpu.memory_space<hbm>>
      %dma_start3A_27 = tpu.memref_squeeze %dma_start3A : memref<1x1024xf32, #tpu.memory_space<hbm>> -> memref<1024xf32, #tpu.memory_space<hbm>>
      %dma_start3A_28 = tpu.memref_slice %arg3[%arg0, %mul3A_26] : memref<2x16384xf32, #tpu.memory_space<hbm>> -> memref<1x1024xf32, #tpu.memory_space<hbm>>
      %dma_start3A_29 = tpu.memref_squeeze %dma_start3A_28 : memref<1x1024xf32, #tpu.memory_space<hbm>> -> memref<1024xf32, #tpu.memory_space<hbm>>
      tpu.enqueue_dma source(%arg7 : memref<1024xf32, #tpu.memory_space<vmem>>) target(%dma_start3A_29 : memref<1024xf32, #tpu.memory_space<hbm>>) target_semaphore(%run_scoped3A : memref<!tpu.dma_semaphore, #tpu.memory_space<semaphore_mem>>)
      %dma_wait3A = tpu.memref_slice %arg3[%arg0, %mul3A_26] : memref<2x16384xf32, #tpu.memory_space<hbm>> -> memref<1x1024xf32, #tpu.memory_space<hbm>>
      %dma_wait3A_30 = tpu.memref_squeeze %dma_wait3A : memref<1x1024xf32, #tpu.memory_space<hbm>> -> memref<1024xf32, #tpu.memory_space<hbm>>
      %dma_wait3A_31 = tpu.memref_slice %arg3[%arg0, %mul3A_26] : memref<2x16384xf32, #tpu.memory_space<hbm>> -> memref<1x1024xf32, #tpu.memory_space<hbm>>
      %dma_wait3A_32 = tpu.memref_squeeze %dma_wait3A_31 : memref<1x1024xf32, #tpu.memory_space<hbm>> -> memref<1024xf32, #tpu.memory_space<hbm>>
      tpu.wait_dma2 semaphore(%run_scoped3A : memref<!tpu.dma_semaphore, #tpu.memory_space<semaphore_mem>>) src(%arg7 : memref<1024xf32, #tpu.memory_space<vmem>>) dst(%dma_wait3A_32 : memref<1024xf32, #tpu.memory_space<hbm>>)
      tpu.yield
    }) : () -> ()
    return
  }
}

#map = affine_map<(d0, d1) -> (0, 0)>
#map1 = affine_map<(d0, d1) -> (0, 0, 0)>
module attributes {stable_mosaic.version = 14 : i64} {
  func.func @_scatter_call(%arg0: i32, %arg1: i32, %arg2: memref<10000x128xf32, #tpu.memory_space<hbm>>, %arg3: memref<2560x128xi32, #tpu.memory_space<hbm>>, %arg4: memref<2560x128xi32, #tpu.memory_space<hbm>>, %arg5: memref<2x10240x128xf32, #tpu.memory_space<hbm>>, %arg6: memref<16x128xi32, #tpu.memory_space<vmem>>, %arg7: memref<16x128xi32, #tpu.memory_space<vmem>>, %arg8: memref<2x128x128xf32, #tpu.memory_space<vmem>>, %arg9: memref<10240x128xf32, #tpu.memory_space<vmem_shared>>, %arg10: memref<2x!tpu.dma_semaphore, #tpu.memory_space<semaphore_mem>>, %arg11: memref<2x!tpu.dma_semaphore, #tpu.memory_space<semaphore_mem>>) attributes {dimension_semantics = [#tpu.dimension_semantics<core_parallel>, #tpu.dimension_semantics<subcore_parallel>], iteration_bounds = array<i64: 2, 16>, scalar_prefetch = 0 : i64, scratch_operands = 6 : i64, tpu.core_type = #tpu.core_type<sc_vector_subcore>, window_params = [{transform_indices = #map}, {transform_indices = #map}, {transform_indices = #map}, {transform_indices = #map1}]} {
    %mul3A = arith.constant 2 : i32
    %mul3A_0 = arith.muli %arg1, %mul3A : i32
    %add3A = arith.addi %mul3A_0, %arg0 : i32
    %broadcast_in_dim3A = arith.constant 0.000000e+00 : f32
    %broadcast_in_dim3A_1 = vector.broadcast %broadcast_in_dim3A : f32 to vector<16xf32>
    %scan3A = arith.constant 0 : i32
    %scan3A_2 = arith.constant 0 : i32
    %scan3A_3 = arith.constant 1024 : i32
    %scan3A_4 = arith.addi %scan3A_2, %scan3A_3 : i32
    %scan3A_5 = arith.constant 1 : i32
    scf.for %scan3A_26 = %scan3A_2 to %scan3A_4 step %scan3A_5  : i32 {
      %shift_right_arithmetic3A = arith.constant 3 : i32
      %shift_right_arithmetic3A_27 = arith.shrsi %scan3A_26, %shift_right_arithmetic3A : i32
      %and3A = arith.constant 7 : i32
      %and3A_28 = arith.andi %scan3A_26, %and3A : i32
      %mul3A_29 = arith.constant 16 : i32
      %mul3A_30 = arith.muli %and3A_28, %mul3A_29 : i32
      %multiple_of3A = tpu.assume_multiple %mul3A_30, 16 : i32
      %swap3A = arith.constant 0 : i32
      %swap3A_31 = arith.index_cast %swap3A : i32 to index
      %swap3A_32 = arith.index_cast %shift_right_arithmetic3A_27 : i32 to index
      %swap3A_33 = arith.index_cast %multiple_of3A : i32 to index
      %swap3A_34 = tpu.vector_load %arg8[%swap3A_31, %swap3A_32, %swap3A_33] {strides = array<i32>} : memref<2x128x128xf32, #tpu.memory_space<vmem>>, vector<16xf32>,
      tpu.vector_store %arg8[%swap3A_31, %swap3A_32, %swap3A_33], %broadcast_in_dim3A_1 {strides = array<i32>} : memref<2x128x128xf32, #tpu.memory_space<vmem>>, vector<16xf32>,
    }
    %scan3A_6 = arith.constant 1024 : i32
    %scan3A_7 = arith.constant 0 : i32
    %scan3A_8 = arith.constant 0 : i32
    %scan3A_9 = arith.constant 5 : i32
    %scan3A_10 = arith.addi %scan3A_8, %scan3A_9 : i32
    %scan3A_11 = arith.constant 1 : i32
    scf.for %scan3A_26 = %scan3A_8 to %scan3A_10 step %scan3A_11  : i32 {
      %mul3A_27 = arith.constant 640 : i32
      %mul3A_28 = arith.muli %arg1, %mul3A_27 : i32
      %mul3A_29 = arith.constant 128 : i32
      %mul3A_30 = arith.muli %scan3A_26, %mul3A_29 : i32
      %add3A_31 = arith.addi %mul3A_28, %mul3A_30 : i32
      %run_scoped3A = arith.constant 0 : i32
      "tpu.region"() ({
        %run_scoped3A_32 = tpu.sem_alloc : memref<!tpu.dma_semaphore, #tpu.memory_space<semaphore_mem>>
        %dma_start3A = arith.constant 0 : i32
        %dma_start3A_33 = arith.constant 0 : i32
        %dma_start3A_34 = tpu.memref_slice %arg8[%run_scoped3A, %dma_start3A, %dma_start3A_33] : memref<2x128x128xf32, #tpu.memory_space<vmem>> -> memref<1x128x128xf32, #tpu.memory_space<vmem>>
        %dma_start3A_35 = tpu.memref_squeeze %dma_start3A_34 : memref<1x128x128xf32, #tpu.memory_space<vmem>> -> memref<128x128xf32, #tpu.memory_space<vmem>>
        %dma_start3A_36 = arith.constant 0 : i32
        %dma_start3A_37 = tpu.memref_slice %arg9[%add3A_31, %dma_start3A_36] : memref<10240x128xf32, #tpu.memory_space<vmem_shared>> -> memref<128x128xf32, #tpu.memory_space<vmem_shared>>
        %dma_start3A_38 = arith.constant 0 : i32
        %dma_start3A_39 = tpu.memref_slice %arg9[%add3A_31, %dma_start3A_38] : memref<10240x128xf32, #tpu.memory_space<vmem_shared>> -> memref<128x128xf32, #tpu.memory_space<vmem_shared>>
        %dma_start3A_40 = arith.constant 0 : i32
        %dma_start3A_41 = arith.constant 0 : i32
        %dma_start3A_42 = tpu.memref_slice %arg8[%run_scoped3A, %dma_start3A_40, %dma_start3A_41] : memref<2x128x128xf32, #tpu.memory_space<vmem>> -> memref<1x128x128xf32, #tpu.memory_space<vmem>>
        %dma_start3A_43 = tpu.memref_squeeze %dma_start3A_42 : memref<1x128x128xf32, #tpu.memory_space<vmem>> -> memref<128x128xf32, #tpu.memory_space<vmem>>
        tpu.enqueue_dma source(%dma_start3A_43 : memref<128x128xf32, #tpu.memory_space<vmem>>) target(%dma_start3A_39 : memref<128x128xf32, #tpu.memory_space<vmem_shared>>) target_semaphore(%run_scoped3A_32 : memref<!tpu.dma_semaphore, #tpu.memory_space<semaphore_mem>>)
        %dma_wait3A = arith.constant 0 : i32
        %dma_wait3A_44 = arith.constant 0 : i32
        %dma_wait3A_45 = tpu.memref_slice %arg8[%run_scoped3A, %dma_wait3A, %dma_wait3A_44] : memref<2x128x128xf32, #tpu.memory_space<vmem>> -> memref<1x128x128xf32, #tpu.memory_space<vmem>>
        %dma_wait3A_46 = tpu.memref_squeeze %dma_wait3A_45 : memref<1x128x128xf32, #tpu.memory_space<vmem>> -> memref<128x128xf32, #tpu.memory_space<vmem>>
        %dma_wait3A_47 = arith.constant 0 : i32
        %dma_wait3A_48 = tpu.memref_slice %arg9[%add3A_31, %dma_wait3A_47] : memref<10240x128xf32, #tpu.memory_space<vmem_shared>> -> memref<128x128xf32, #tpu.memory_space<vmem_shared>>
        %dma_wait3A_49 = arith.constant 0 : i32
        %dma_wait3A_50 = tpu.memref_slice %arg9[%add3A_31, %dma_wait3A_49] : memref<10240x128xf32, #tpu.memory_space<vmem_shared>> -> memref<128x128xf32, #tpu.memory_space<vmem_shared>>
        %dma_wait3A_51 = arith.constant 0 : i32
        %dma_wait3A_52 = arith.constant 0 : i32
        %dma_wait3A_53 = tpu.memref_slice %arg8[%run_scoped3A, %dma_wait3A_51, %dma_wait3A_52] : memref<2x128x128xf32, #tpu.memory_space<vmem>> -> memref<1x128x128xf32, #tpu.memory_space<vmem>>
        %dma_wait3A_54 = tpu.memref_squeeze %dma_wait3A_53 : memref<1x128x128xf32, #tpu.memory_space<vmem>> -> memref<128x128xf32, #tpu.memory_space<vmem>>
        tpu.wait_dma2 semaphore(%run_scoped3A_32 : memref<!tpu.dma_semaphore, #tpu.memory_space<semaphore_mem>>) src(%dma_wait3A_54 : memref<128x128xf32, #tpu.memory_space<vmem>>) dst(%dma_wait3A_50 : memref<128x128xf32, #tpu.memory_space<vmem_shared>>)
        tpu.yield
      }) : () -> ()
    }
    %scan3A_12 = arith.constant 5 : i32
    %barrier3A = arith.constant 0 : index
    tpu.barrier barrier_id(%barrier3A)
    %mul3A_13 = arith.constant 80 : i32
    %mul3A_14 = arith.muli %add3A, %mul3A_13 : i32
    %scan3A_15 = arith.constant 0 : i32
    %scan3A_16 = arith.constant 0 : i32
    %scan3A_17 = arith.constant 5 : i32
    %scan3A_18 = arith.addi %scan3A_16, %scan3A_17 : i32
    %scan3A_19 = arith.constant 1 : i32
    scf.for %scan3A_26 = %scan3A_16 to %scan3A_18 step %scan3A_19  : i32 {
      %mul3A_27 = arith.constant 16 : i32
      %mul3A_28 = arith.muli %scan3A_26, %mul3A_27 : i32
      %add3A_29 = arith.addi %mul3A_14, %mul3A_28 : i32
      %multiple_of3A = tpu.assume_multiple %add3A_29, 8 : i32
      "tpu.region"() ({
        %run_scoped3A = tpu.sem_alloc : memref<!tpu.dma_semaphore, #tpu.memory_space<semaphore_mem>>
        %dma_start3A_154 = arith.constant 0 : i32
        %dma_start3A_155 = tpu.memref_slice %arg3[%multiple_of3A, %dma_start3A_154] : memref<2560x128xi32, #tpu.memory_space<hbm>> -> memref<16x128xi32, #tpu.memory_space<hbm>>
        %dma_start3A_156 = arith.constant 0 : i32
        %dma_start3A_157 = tpu.memref_slice %arg3[%multiple_of3A, %dma_start3A_156] : memref<2560x128xi32, #tpu.memory_space<hbm>> -> memref<16x128xi32, #tpu.memory_space<hbm>>
        tpu.enqueue_dma source(%dma_start3A_157 : memref<16x128xi32, #tpu.memory_space<hbm>>) target(%arg6 : memref<16x128xi32, #tpu.memory_space<vmem>>) target_semaphore(%run_scoped3A : memref<!tpu.dma_semaphore, #tpu.memory_space<semaphore_mem>>)
        %dma_wait3A_158 = arith.constant 0 : i32
        %dma_wait3A_159 = tpu.memref_slice %arg3[%multiple_of3A, %dma_wait3A_158] : memref<2560x128xi32, #tpu.memory_space<hbm>> -> memref<16x128xi32, #tpu.memory_space<hbm>>
        %dma_wait3A_160 = arith.constant 0 : i32
        %dma_wait3A_161 = tpu.memref_slice %arg3[%multiple_of3A, %dma_wait3A_160] : memref<2560x128xi32, #tpu.memory_space<hbm>> -> memref<16x128xi32, #tpu.memory_space<hbm>>
        tpu.wait_dma2 semaphore(%run_scoped3A : memref<!tpu.dma_semaphore, #tpu.memory_space<semaphore_mem>>) src(%dma_wait3A_161 : memref<16x128xi32, #tpu.memory_space<hbm>>) dst(%arg6 : memref<16x128xi32, #tpu.memory_space<vmem>>)
        tpu.yield
      }) : () -> ()
      "tpu.region"() ({
        %run_scoped3A = tpu.sem_alloc : memref<!tpu.dma_semaphore, #tpu.memory_space<semaphore_mem>>
        %dma_start3A_154 = arith.constant 0 : i32
        %dma_start3A_155 = tpu.memref_slice %arg4[%multiple_of3A, %dma_start3A_154] : memref<2560x128xi32, #tpu.memory_space<hbm>> -> memref<16x128xi32, #tpu.memory_space<hbm>>
        %dma_start3A_156 = arith.constant 0 : i32
        %dma_start3A_157 = tpu.memref_slice %arg4[%multiple_of3A, %dma_start3A_156] : memref<2560x128xi32, #tpu.memory_space<hbm>> -> memref<16x128xi32, #tpu.memory_space<hbm>>
        tpu.enqueue_dma source(%dma_start3A_157 : memref<16x128xi32, #tpu.memory_space<hbm>>) target(%arg7 : memref<16x128xi32, #tpu.memory_space<vmem>>) target_semaphore(%run_scoped3A : memref<!tpu.dma_semaphore, #tpu.memory_space<semaphore_mem>>)
        %dma_wait3A_158 = arith.constant 0 : i32
        %dma_wait3A_159 = tpu.memref_slice %arg4[%multiple_of3A, %dma_wait3A_158] : memref<2560x128xi32, #tpu.memory_space<hbm>> -> memref<16x128xi32, #tpu.memory_space<hbm>>
        %dma_wait3A_160 = arith.constant 0 : i32
        %dma_wait3A_161 = tpu.memref_slice %arg4[%multiple_of3A, %dma_wait3A_160] : memref<2560x128xi32, #tpu.memory_space<hbm>> -> memref<16x128xi32, #tpu.memory_space<hbm>>
        tpu.wait_dma2 semaphore(%run_scoped3A : memref<!tpu.dma_semaphore, #tpu.memory_space<semaphore_mem>>) src(%dma_wait3A_161 : memref<16x128xi32, #tpu.memory_space<hbm>>) dst(%arg7 : memref<16x128xi32, #tpu.memory_space<vmem>>)
        tpu.yield
      }) : () -> ()
      %dma_start3A = arith.constant 0 : i32
      %dma_start3A_30 = arith.constant 0 : i32
      %dma_start3A_31 = arith.constant 0 : i32
      %dma_start3A_32 = arith.constant 0 : i32
      %dma_start3A_33 = arith.constant 0 : i32
      %dma_start3A_34 = tpu.memref_slice %arg8[%dma_start3A_30, %dma_start3A_32, %dma_start3A_33] : memref<2x128x128xf32, #tpu.memory_space<vmem>> -> memref<1x128x128xf32, #tpu.memory_space<vmem>>
      %dma_start3A_35 = tpu.memref_squeeze %dma_start3A_34 : memref<1x128x128xf32, #tpu.memory_space<vmem>> -> memref<128x128xf32, #tpu.memory_space<vmem>>
      %dma_start3A_36 = arith.constant 0 : i32
      %dma_start3A_37 = tpu.memref_slice %arg6[%dma_start3A, %dma_start3A_36] : memref<16x128xi32, #tpu.memory_space<vmem>> -> memref<1x128xi32, #tpu.memory_space<vmem>>
      %dma_start3A_38 = tpu.memref_squeeze %dma_start3A_37 : memref<1x128xi32, #tpu.memory_space<vmem>> -> memref<128xi32, #tpu.memory_space<vmem>>
      %dma_start3A_39 = arith.constant 0 : i32
      %dma_start3A_40 = arith.constant 0 : i32
      %dma_start3A_41 = tpu.memref_slice %arg2[%dma_start3A_39, %dma_start3A_40] : memref<10000x128xf32, #tpu.memory_space<hbm>> -> memref<10000x128xf32, #tpu.memory_space<hbm>>
      %dma_start3A_42 = tpu.memref_slice %arg10[%dma_start3A_31] : memref<2x!tpu.dma_semaphore, #tpu.memory_space<semaphore_mem>> -> memref<1x!tpu.dma_semaphore, #tpu.memory_space<semaphore_mem>>
      %dma_start3A_43 = tpu.memref_squeeze %dma_start3A_42 : memref<1x!tpu.dma_semaphore, #tpu.memory_space<semaphore_mem>> -> memref<!tpu.dma_semaphore, #tpu.memory_space<semaphore_mem>>
      tpu.enqueue_indirect_dma source(%dma_start3A_41 : memref<10000x128xf32, #tpu.memory_space<hbm>>) target(%dma_start3A_35 : memref<128x128xf32, #tpu.memory_space<vmem>>) offsets(%dma_start3A_38 : memref<128xi32, #tpu.memory_space<vmem>>) semaphore(%dma_start3A_43 : memref<!tpu.dma_semaphore, #tpu.memory_space<semaphore_mem>>)
      %dma_start3A_44 = arith.constant 1 : i32
      %dma_start3A_45 = arith.constant 1 : i32
      %dma_start3A_46 = arith.constant 1 : i32
      %dma_start3A_47 = arith.constant 0 : i32
      %dma_start3A_48 = arith.constant 0 : i32
      %dma_start3A_49 = tpu.memref_slice %arg8[%dma_start3A_45, %dma_start3A_47, %dma_start3A_48] : memref<2x128x128xf32, #tpu.memory_space<vmem>> -> memref<1x128x128xf32, #tpu.memory_space<vmem>>
      %dma_start3A_50 = tpu.memref_squeeze %dma_start3A_49 : memref<1x128x128xf32, #tpu.memory_space<vmem>> -> memref<128x128xf32, #tpu.memory_space<vmem>>
      %dma_start3A_51 = arith.constant 0 : i32
      %dma_start3A_52 = tpu.memref_slice %arg6[%dma_start3A_44, %dma_start3A_51] : memref<16x128xi32, #tpu.memory_space<vmem>> -> memref<1x128xi32, #tpu.memory_space<vmem>>
      %dma_start3A_53 = tpu.memref_squeeze %dma_start3A_52 : memref<1x128xi32, #tpu.memory_space<vmem>> -> memref<128xi32, #tpu.memory_space<vmem>>
      %dma_start3A_54 = arith.constant 0 : i32
      %dma_start3A_55 = arith.constant 0 : i32
      %dma_start3A_56 = tpu.memref_slice %arg2[%dma_start3A_54, %dma_start3A_55] : memref<10000x128xf32, #tpu.memory_space<hbm>> -> memref<10000x128xf32, #tpu.memory_space<hbm>>
      %dma_start3A_57 = tpu.memref_slice %arg10[%dma_start3A_46] : memref<2x!tpu.dma_semaphore, #tpu.memory_space<semaphore_mem>> -> memref<1x!tpu.dma_semaphore, #tpu.memory_space<semaphore_mem>>
      %dma_start3A_58 = tpu.memref_squeeze %dma_start3A_57 : memref<1x!tpu.dma_semaphore, #tpu.memory_space<semaphore_mem>> -> memref<!tpu.dma_semaphore, #tpu.memory_space<semaphore_mem>>
      tpu.enqueue_indirect_dma source(%dma_start3A_56 : memref<10000x128xf32, #tpu.memory_space<hbm>>) target(%dma_start3A_50 : memref<128x128xf32, #tpu.memory_space<vmem>>) offsets(%dma_start3A_53 : memref<128xi32, #tpu.memory_space<vmem>>) semaphore(%dma_start3A_58 : memref<!tpu.dma_semaphore, #tpu.memory_space<semaphore_mem>>)
      %scan3A_59 = arith.constant 0 : i32
      %scan3A_60 = arith.constant 0 : i32
      %scan3A_61 = arith.constant 7 : i32
      %scan3A_62 = arith.addi %scan3A_60, %scan3A_61 : i32
      %scan3A_63 = arith.constant 1 : i32
      scf.for %scan3A_154 = %scan3A_60 to %scan3A_62 step %scan3A_63  : i32 {
        %mul3A_155 = arith.constant 2 : i32
        %mul3A_156 = arith.muli %scan3A_154, %mul3A_155 : i32
        %add3A_157 = arith.constant 0 : i32
        %add3A_158 = arith.addi %mul3A_156, %add3A_157 : i32
        %dma_wait3A_159 = arith.constant 0 : i32
        %dma_wait3A_160 = arith.constant 0 : i32
        %dma_wait3A_161 = arith.constant 0 : i32
        %dma_wait3A_162 = arith.constant 0 : i32
        %dma_wait3A_163 = tpu.memref_slice %arg8[%dma_wait3A_159, %dma_wait3A_161, %dma_wait3A_162] : memref<2x128x128xf32, #tpu.memory_space<vmem>> -> memref<1x128x128xf32, #tpu.memory_space<vmem>>
        %dma_wait3A_164 = tpu.memref_squeeze %dma_wait3A_163 : memref<1x128x128xf32, #tpu.memory_space<vmem>> -> memref<128x128xf32, #tpu.memory_space<vmem>>
        %dma_wait3A_165 = arith.constant 0 : i32
        %dma_wait3A_166 = tpu.memref_slice %arg6[%add3A_158, %dma_wait3A_165] : memref<16x128xi32, #tpu.memory_space<vmem>> -> memref<1x128xi32, #tpu.memory_space<vmem>>
        %dma_wait3A_167 = tpu.memref_squeeze %dma_wait3A_166 : memref<1x128xi32, #tpu.memory_space<vmem>> -> memref<128xi32, #tpu.memory_space<vmem>>
        %dma_wait3A_168 = arith.constant 0 : i32
        %dma_wait3A_169 = arith.constant 0 : i32
        %dma_wait3A_170 = tpu.memref_slice %arg2[%dma_wait3A_168, %dma_wait3A_169] : memref<10000x128xf32, #tpu.memory_space<hbm>> -> memref<10000x128xf32, #tpu.memory_space<hbm>>
        %dma_wait3A_171 = tpu.memref_slice %arg10[%dma_wait3A_160] : memref<2x!tpu.dma_semaphore, #tpu.memory_space<semaphore_mem>> -> memref<1x!tpu.dma_semaphore, #tpu.memory_space<semaphore_mem>>
        %dma_wait3A_172 = tpu.memref_squeeze %dma_wait3A_171 : memref<1x!tpu.dma_semaphore, #tpu.memory_space<semaphore_mem>> -> memref<!tpu.dma_semaphore, #tpu.memory_space<semaphore_mem>>
        tpu.wait_indirect_dma semaphore(%dma_wait3A_172 : memref<!tpu.dma_semaphore, #tpu.memory_space<semaphore_mem>>) src(%dma_wait3A_170 : memref<10000x128xf32, #tpu.memory_space<hbm>>) dst(%dma_wait3A_164 : memref<128x128xf32, #tpu.memory_space<vmem>>)
        %add3A_173 = arith.constant 0 : i32
        %add3A_174 = arith.addi %mul3A_156, %add3A_173 : i32
        %dma_start3A_175 = arith.constant 0 : i32
        %dma_start3A_176 = arith.constant 0 : i32
        %dma_start3A_177 = arith.constant 0 : i32
        %dma_start3A_178 = arith.constant 0 : i32
        %dma_start3A_179 = tpu.memref_slice %arg8[%dma_start3A_175, %dma_start3A_177, %dma_start3A_178] : memref<2x128x128xf32, #tpu.memory_space<vmem>> -> memref<1x128x128xf32, #tpu.memory_space<vmem>>
        %dma_start3A_180 = tpu.memref_squeeze %dma_start3A_179 : memref<1x128x128xf32, #tpu.memory_space<vmem>> -> memref<128x128xf32, #tpu.memory_space<vmem>>
        %dma_start3A_181 = arith.constant 0 : i32
        %dma_start3A_182 = tpu.memref_slice %arg7[%add3A_174, %dma_start3A_181] : memref<16x128xi32, #tpu.memory_space<vmem>> -> memref<1x128xi32, #tpu.memory_space<vmem>>
        %dma_start3A_183 = tpu.memref_squeeze %dma_start3A_182 : memref<1x128xi32, #tpu.memory_space<vmem>> -> memref<128xi32, #tpu.memory_space<vmem>>
        %dma_start3A_184 = arith.constant 0 : i32
        %dma_start3A_185 = arith.constant 0 : i32
        %dma_start3A_186 = tpu.memref_slice %arg9[%dma_start3A_184, %dma_start3A_185] : memref<10240x128xf32, #tpu.memory_space<vmem_shared>> -> memref<10240x128xf32, #tpu.memory_space<vmem_shared>>
        %dma_start3A_187 = tpu.memref_slice %arg11[%dma_start3A_176] : memref<2x!tpu.dma_semaphore, #tpu.memory_space<semaphore_mem>> -> memref<1x!tpu.dma_semaphore, #tpu.memory_space<semaphore_mem>>
        %dma_start3A_188 = tpu.memref_squeeze %dma_start3A_187 : memref<1x!tpu.dma_semaphore, #tpu.memory_space<semaphore_mem>> -> memref<!tpu.dma_semaphore, #tpu.memory_space<semaphore_mem>>
        tpu.enqueue_indirect_dma source(%dma_start3A_180 : memref<128x128xf32, #tpu.memory_space<vmem>>) target(%dma_start3A_186 : memref<10240x128xf32, #tpu.memory_space<vmem_shared>>) offsets(%dma_start3A_183 : memref<128xi32, #tpu.memory_space<vmem>>) semaphore(%dma_start3A_188 : memref<!tpu.dma_semaphore, #tpu.memory_space<semaphore_mem>>) {add = true}
        %add3A_189 = arith.constant 1 : i32
        %add3A_190 = arith.addi %mul3A_156, %add3A_189 : i32
        %dma_wait3A_191 = arith.constant 1 : i32
        %dma_wait3A_192 = arith.constant 1 : i32
        %dma_wait3A_193 = arith.constant 0 : i32
        %dma_wait3A_194 = arith.constant 0 : i32
        %dma_wait3A_195 = tpu.memref_slice %arg8[%dma_wait3A_191, %dma_wait3A_193, %dma_wait3A_194] : memref<2x128x128xf32, #tpu.memory_space<vmem>> -> memref<1x128x128xf32, #tpu.memory_space<vmem>>
        %dma_wait3A_196 = tpu.memref_squeeze %dma_wait3A_195 : memref<1x128x128xf32, #tpu.memory_space<vmem>> -> memref<128x128xf32, #tpu.memory_space<vmem>>
        %dma_wait3A_197 = arith.constant 0 : i32
        %dma_wait3A_198 = tpu.memref_slice %arg6[%add3A_190, %dma_wait3A_197] : memref<16x128xi32, #tpu.memory_space<vmem>> -> memref<1x128xi32, #tpu.memory_space<vmem>>
        %dma_wait3A_199 = tpu.memref_squeeze %dma_wait3A_198 : memref<1x128xi32, #tpu.memory_space<vmem>> -> memref<128xi32, #tpu.memory_space<vmem>>
        %dma_wait3A_200 = arith.constant 0 : i32
        %dma_wait3A_201 = arith.constant 0 : i32
        %dma_wait3A_202 = tpu.memref_slice %arg2[%dma_wait3A_200, %dma_wait3A_201] : memref<10000x128xf32, #tpu.memory_space<hbm>> -> memref<10000x128xf32, #tpu.memory_space<hbm>>
        %dma_wait3A_203 = tpu.memref_slice %arg10[%dma_wait3A_192] : memref<2x!tpu.dma_semaphore, #tpu.memory_space<semaphore_mem>> -> memref<1x!tpu.dma_semaphore, #tpu.memory_space<semaphore_mem>>
        %dma_wait3A_204 = tpu.memref_squeeze %dma_wait3A_203 : memref<1x!tpu.dma_semaphore, #tpu.memory_space<semaphore_mem>> -> memref<!tpu.dma_semaphore, #tpu.memory_space<semaphore_mem>>
        tpu.wait_indirect_dma semaphore(%dma_wait3A_204 : memref<!tpu.dma_semaphore, #tpu.memory_space<semaphore_mem>>) src(%dma_wait3A_202 : memref<10000x128xf32, #tpu.memory_space<hbm>>) dst(%dma_wait3A_196 : memref<128x128xf32, #tpu.memory_space<vmem>>)
        %add3A_205 = arith.constant 1 : i32
        %add3A_206 = arith.addi %mul3A_156, %add3A_205 : i32
        %dma_start3A_207 = arith.constant 1 : i32
        %dma_start3A_208 = arith.constant 1 : i32
        %dma_start3A_209 = arith.constant 0 : i32
        %dma_start3A_210 = arith.constant 0 : i32
        %dma_start3A_211 = tpu.memref_slice %arg8[%dma_start3A_207, %dma_start3A_209, %dma_start3A_210] : memref<2x128x128xf32, #tpu.memory_space<vmem>> -> memref<1x128x128xf32, #tpu.memory_space<vmem>>
        %dma_start3A_212 = tpu.memref_squeeze %dma_start3A_211 : memref<1x128x128xf32, #tpu.memory_space<vmem>> -> memref<128x128xf32, #tpu.memory_space<vmem>>
        %dma_start3A_213 = arith.constant 0 : i32
        %dma_start3A_214 = tpu.memref_slice %arg7[%add3A_206, %dma_start3A_213] : memref<16x128xi32, #tpu.memory_space<vmem>> -> memref<1x128xi32, #tpu.memory_space<vmem>>
        %dma_start3A_215 = tpu.memref_squeeze %dma_start3A_214 : memref<1x128xi32, #tpu.memory_space<vmem>> -> memref<128xi32, #tpu.memory_space<vmem>>
        %dma_start3A_216 = arith.constant 0 : i32
        %dma_start3A_217 = arith.constant 0 : i32
        %dma_start3A_218 = tpu.memref_slice %arg9[%dma_start3A_216, %dma_start3A_217] : memref<10240x128xf32, #tpu.memory_space<vmem_shared>> -> memref<10240x128xf32, #tpu.memory_space<vmem_shared>>
        %dma_start3A_219 = tpu.memref_slice %arg11[%dma_start3A_208] : memref<2x!tpu.dma_semaphore, #tpu.memory_space<semaphore_mem>> -> memref<1x!tpu.dma_semaphore, #tpu.memory_space<semaphore_mem>>
        %dma_start3A_220 = tpu.memref_squeeze %dma_start3A_219 : memref<1x!tpu.dma_semaphore, #tpu.memory_space<semaphore_mem>> -> memref<!tpu.dma_semaphore, #tpu.memory_space<semaphore_mem>>
        tpu.enqueue_indirect_dma source(%dma_start3A_212 : memref<128x128xf32, #tpu.memory_space<vmem>>) target(%dma_start3A_218 : memref<10240x128xf32, #tpu.memory_space<vmem_shared>>) offsets(%dma_start3A_215 : memref<128xi32, #tpu.memory_space<vmem>>) semaphore(%dma_start3A_220 : memref<!tpu.dma_semaphore, #tpu.memory_space<semaphore_mem>>) {add = true}
        %add3A_221 = arith.constant 0 : i32
        %add3A_222 = arith.addi %mul3A_156, %add3A_221 : i32
        %dma_wait3A_223 = arith.constant 0 : i32
        %dma_wait3A_224 = arith.constant 0 : i32
        %dma_wait3A_225 = arith.constant 0 : i32
        %dma_wait3A_226 = arith.constant 0 : i32
        %dma_wait3A_227 = tpu.memref_slice %arg8[%dma_wait3A_223, %dma_wait3A_225, %dma_wait3A_226] : memref<2x128x128xf32, #tpu.memory_space<vmem>> -> memref<1x128x128xf32, #tpu.memory_space<vmem>>
        %dma_wait3A_228 = tpu.memref_squeeze %dma_wait3A_227 : memref<1x128x128xf32, #tpu.memory_space<vmem>> -> memref<128x128xf32, #tpu.memory_space<vmem>>
        %dma_wait3A_229 = arith.constant 0 : i32
        %dma_wait3A_230 = tpu.memref_slice %arg7[%add3A_222, %dma_wait3A_229] : memref<16x128xi32, #tpu.memory_space<vmem>> -> memref<1x128xi32, #tpu.memory_space<vmem>>
        %dma_wait3A_231 = tpu.memref_squeeze %dma_wait3A_230 : memref<1x128xi32, #tpu.memory_space<vmem>> -> memref<128xi32, #tpu.memory_space<vmem>>
        %dma_wait3A_232 = arith.constant 0 : i32
        %dma_wait3A_233 = arith.constant 0 : i32
        %dma_wait3A_234 = tpu.memref_slice %arg9[%dma_wait3A_232, %dma_wait3A_233] : memref<10240x128xf32, #tpu.memory_space<vmem_shared>> -> memref<10240x128xf32, #tpu.memory_space<vmem_shared>>
        %dma_wait3A_235 = tpu.memref_slice %arg11[%dma_wait3A_224] : memref<2x!tpu.dma_semaphore, #tpu.memory_space<semaphore_mem>> -> memref<1x!tpu.dma_semaphore, #tpu.memory_space<semaphore_mem>>
        %dma_wait3A_236 = tpu.memref_squeeze %dma_wait3A_235 : memref<1x!tpu.dma_semaphore, #tpu.memory_space<semaphore_mem>> -> memref<!tpu.dma_semaphore, #tpu.memory_space<semaphore_mem>>
        tpu.wait_indirect_dma semaphore(%dma_wait3A_236 : memref<!tpu.dma_semaphore, #tpu.memory_space<semaphore_mem>>) src(%dma_wait3A_228 : memref<128x128xf32, #tpu.memory_space<vmem>>) dst(%dma_wait3A_234 : memref<10240x128xf32, #tpu.memory_space<vmem_shared>>)
        %add3A_237 = arith.constant 2 : i32
        %add3A_238 = arith.addi %mul3A_156, %add3A_237 : i32
        %add3A_239 = arith.constant 0 : i32
        %add3A_240 = arith.addi %add3A_238, %add3A_239 : i32
        %dma_start3A_241 = arith.constant 0 : i32
        %dma_start3A_242 = arith.constant 0 : i32
        %dma_start3A_243 = arith.constant 0 : i32
        %dma_start3A_244 = arith.constant 0 : i32
        %dma_start3A_245 = tpu.memref_slice %arg8[%dma_start3A_241, %dma_start3A_243, %dma_start3A_244] : memref<2x128x128xf32, #tpu.memory_space<vmem>> -> memref<1x128x128xf32, #tpu.memory_space<vmem>>
        %dma_start3A_246 = tpu.memref_squeeze %dma_start3A_245 : memref<1x128x128xf32, #tpu.memory_space<vmem>> -> memref<128x128xf32, #tpu.memory_space<vmem>>
        %dma_start3A_247 = arith.constant 0 : i32
        %dma_start3A_248 = tpu.memref_slice %arg6[%add3A_240, %dma_start3A_247] : memref<16x128xi32, #tpu.memory_space<vmem>> -> memref<1x128xi32, #tpu.memory_space<vmem>>
        %dma_start3A_249 = tpu.memref_squeeze %dma_start3A_248 : memref<1x128xi32, #tpu.memory_space<vmem>> -> memref<128xi32, #tpu.memory_space<vmem>>
        %dma_start3A_250 = arith.constant 0 : i32
        %dma_start3A_251 = arith.constant 0 : i32
        %dma_start3A_252 = tpu.memref_slice %arg2[%dma_start3A_250, %dma_start3A_251] : memref<10000x128xf32, #tpu.memory_space<hbm>> -> memref<10000x128xf32, #tpu.memory_space<hbm>>
        %dma_start3A_253 = tpu.memref_slice %arg10[%dma_start3A_242] : memref<2x!tpu.dma_semaphore, #tpu.memory_space<semaphore_mem>> -> memref<1x!tpu.dma_semaphore, #tpu.memory_space<semaphore_mem>>
        %dma_start3A_254 = tpu.memref_squeeze %dma_start3A_253 : memref<1x!tpu.dma_semaphore, #tpu.memory_space<semaphore_mem>> -> memref<!tpu.dma_semaphore, #tpu.memory_space<semaphore_mem>>
        tpu.enqueue_indirect_dma source(%dma_start3A_252 : memref<10000x128xf32, #tpu.memory_space<hbm>>) target(%dma_start3A_246 : memref<128x128xf32, #tpu.memory_space<vmem>>) offsets(%dma_start3A_249 : memref<128xi32, #tpu.memory_space<vmem>>) semaphore(%dma_start3A_254 : memref<!tpu.dma_semaphore, #tpu.memory_space<semaphore_mem>>)
        %add3A_255 = arith.constant 1 : i32
        %add3A_256 = arith.addi %mul3A_156, %add3A_255 : i32
        %dma_wait3A_257 = arith.constant 1 : i32
        %dma_wait3A_258 = arith.constant 1 : i32
        %dma_wait3A_259 = arith.constant 0 : i32
        %dma_wait3A_260 = arith.constant 0 : i32
        %dma_wait3A_261 = tpu.memref_slice %arg8[%dma_wait3A_257, %dma_wait3A_259, %dma_wait3A_260] : memref<2x128x128xf32, #tpu.memory_space<vmem>> -> memref<1x128x128xf32, #tpu.memory_space<vmem>>
        %dma_wait3A_262 = tpu.memref_squeeze %dma_wait3A_261 : memref<1x128x128xf32, #tpu.memory_space<vmem>> -> memref<128x128xf32, #tpu.memory_space<vmem>>
        %dma_wait3A_263 = arith.constant 0 : i32
        %dma_wait3A_264 = tpu.memref_slice %arg7[%add3A_256, %dma_wait3A_263] : memref<16x128xi32, #tpu.memory_space<vmem>> -> memref<1x128xi32, #tpu.memory_space<vmem>>
        %dma_wait3A_265 = tpu.memref_squeeze %dma_wait3A_264 : memref<1x128xi32, #tpu.memory_space<vmem>> -> memref<128xi32, #tpu.memory_space<vmem>>
        %dma_wait3A_266 = arith.constant 0 : i32
        %dma_wait3A_267 = arith.constant 0 : i32
        %dma_wait3A_268 = tpu.memref_slice %arg9[%dma_wait3A_266, %dma_wait3A_267] : memref<10240x128xf32, #tpu.memory_space<vmem_shared>> -> memref<10240x128xf32, #tpu.memory_space<vmem_shared>>
        %dma_wait3A_269 = tpu.memref_slice %arg11[%dma_wait3A_258] : memref<2x!tpu.dma_semaphore, #tpu.memory_space<semaphore_mem>> -> memref<1x!tpu.dma_semaphore, #tpu.memory_space<semaphore_mem>>
        %dma_wait3A_270 = tpu.memref_squeeze %dma_wait3A_269 : memref<1x!tpu.dma_semaphore, #tpu.memory_space<semaphore_mem>> -> memref<!tpu.dma_semaphore, #tpu.memory_space<semaphore_mem>>
        tpu.wait_indirect_dma semaphore(%dma_wait3A_270 : memref<!tpu.dma_semaphore, #tpu.memory_space<semaphore_mem>>) src(%dma_wait3A_262 : memref<128x128xf32, #tpu.memory_space<vmem>>) dst(%dma_wait3A_268 : memref<10240x128xf32, #tpu.memory_space<vmem_shared>>)
        %add3A_271 = arith.constant 2 : i32
        %add3A_272 = arith.addi %mul3A_156, %add3A_271 : i32
        %add3A_273 = arith.constant 1 : i32
        %add3A_274 = arith.addi %add3A_272, %add3A_273 : i32
        %dma_start3A_275 = arith.constant 1 : i32
        %dma_start3A_276 = arith.constant 1 : i32
        %dma_start3A_277 = arith.constant 0 : i32
        %dma_start3A_278 = arith.constant 0 : i32
        %dma_start3A_279 = tpu.memref_slice %arg8[%dma_start3A_275, %dma_start3A_277, %dma_start3A_278] : memref<2x128x128xf32, #tpu.memory_space<vmem>> -> memref<1x128x128xf32, #tpu.memory_space<vmem>>
        %dma_start3A_280 = tpu.memref_squeeze %dma_start3A_279 : memref<1x128x128xf32, #tpu.memory_space<vmem>> -> memref<128x128xf32, #tpu.memory_space<vmem>>
        %dma_start3A_281 = arith.constant 0 : i32
        %dma_start3A_282 = tpu.memref_slice %arg6[%add3A_274, %dma_start3A_281] : memref<16x128xi32, #tpu.memory_space<vmem>> -> memref<1x128xi32, #tpu.memory_space<vmem>>
        %dma_start3A_283 = tpu.memref_squeeze %dma_start3A_282 : memref<1x128xi32, #tpu.memory_space<vmem>> -> memref<128xi32, #tpu.memory_space<vmem>>
        %dma_start3A_284 = arith.constant 0 : i32
        %dma_start3A_285 = arith.constant 0 : i32
        %dma_start3A_286 = tpu.memref_slice %arg2[%dma_start3A_284, %dma_start3A_285] : memref<10000x128xf32, #tpu.memory_space<hbm>> -> memref<10000x128xf32, #tpu.memory_space<hbm>>
        %dma_start3A_287 = tpu.memref_slice %arg10[%dma_start3A_276] : memref<2x!tpu.dma_semaphore, #tpu.memory_space<semaphore_mem>> -> memref<1x!tpu.dma_semaphore, #tpu.memory_space<semaphore_mem>>
        %dma_start3A_288 = tpu.memref_squeeze %dma_start3A_287 : memref<1x!tpu.dma_semaphore, #tpu.memory_space<semaphore_mem>> -> memref<!tpu.dma_semaphore, #tpu.memory_space<semaphore_mem>>
        tpu.enqueue_indirect_dma source(%dma_start3A_286 : memref<10000x128xf32, #tpu.memory_space<hbm>>) target(%dma_start3A_280 : memref<128x128xf32, #tpu.memory_space<vmem>>) offsets(%dma_start3A_283 : memref<128xi32, #tpu.memory_space<vmem>>) semaphore(%dma_start3A_288 : memref<!tpu.dma_semaphore, #tpu.memory_space<semaphore_mem>>)
      }
      %scan3A_64 = arith.constant 7 : i32
      %dma_wait3A = arith.constant 14 : i32
      %dma_wait3A_65 = arith.constant 0 : i32
      %dma_wait3A_66 = arith.constant 0 : i32
      %dma_wait3A_67 = arith.constant 0 : i32
      %dma_wait3A_68 = arith.constant 0 : i32
      %dma_wait3A_69 = tpu.memref_slice %arg8[%dma_wait3A_65, %dma_wait3A_67, %dma_wait3A_68] : memref<2x128x128xf32, #tpu.memory_space<vmem>> -> memref<1x128x128xf32, #tpu.memory_space<vmem>>
      %dma_wait3A_70 = tpu.memref_squeeze %dma_wait3A_69 : memref<1x128x128xf32, #tpu.memory_space<vmem>> -> memref<128x128xf32, #tpu.memory_space<vmem>>
      %dma_wait3A_71 = arith.constant 0 : i32
      %dma_wait3A_72 = tpu.memref_slice %arg6[%dma_wait3A, %dma_wait3A_71] : memref<16x128xi32, #tpu.memory_space<vmem>> -> memref<1x128xi32, #tpu.memory_space<vmem>>
      %dma_wait3A_73 = tpu.memref_squeeze %dma_wait3A_72 : memref<1x128xi32, #tpu.memory_space<vmem>> -> memref<128xi32, #tpu.memory_space<vmem>>
      %dma_wait3A_74 = arith.constant 0 : i32
      %dma_wait3A_75 = arith.constant 0 : i32
      %dma_wait3A_76 = tpu.memref_slice %arg2[%dma_wait3A_74, %dma_wait3A_75] : memref<10000x128xf32, #tpu.memory_space<hbm>> -> memref<10000x128xf32, #tpu.memory_space<hbm>>
      %dma_wait3A_77 = tpu.memref_slice %arg10[%dma_wait3A_66] : memref<2x!tpu.dma_semaphore, #tpu.memory_space<semaphore_mem>> -> memref<1x!tpu.dma_semaphore, #tpu.memory_space<semaphore_mem>>
      %dma_wait3A_78 = tpu.memref_squeeze %dma_wait3A_77 : memref<1x!tpu.dma_semaphore, #tpu.memory_space<semaphore_mem>> -> memref<!tpu.dma_semaphore, #tpu.memory_space<semaphore_mem>>
      tpu.wait_indirect_dma semaphore(%dma_wait3A_78 : memref<!tpu.dma_semaphore, #tpu.memory_space<semaphore_mem>>) src(%dma_wait3A_76 : memref<10000x128xf32, #tpu.memory_space<hbm>>) dst(%dma_wait3A_70 : memref<128x128xf32, #tpu.memory_space<vmem>>)
      %dma_start3A_79 = arith.constant 0 : i32
      %dma_start3A_80 = arith.constant 14 : i32
      %dma_start3A_81 = arith.constant 0 : i32
      %dma_start3A_82 = arith.constant 0 : i32
      %dma_start3A_83 = arith.constant 0 : i32
      %dma_start3A_84 = tpu.memref_slice %arg8[%dma_start3A_79, %dma_start3A_82, %dma_start3A_83] : memref<2x128x128xf32, #tpu.memory_space<vmem>> -> memref<1x128x128xf32, #tpu.memory_space<vmem>>
      %dma_start3A_85 = tpu.memref_squeeze %dma_start3A_84 : memref<1x128x128xf32, #tpu.memory_space<vmem>> -> memref<128x128xf32, #tpu.memory_space<vmem>>
      %dma_start3A_86 = arith.constant 0 : i32
      %dma_start3A_87 = tpu.memref_slice %arg7[%dma_start3A_80, %dma_start3A_86] : memref<16x128xi32, #tpu.memory_space<vmem>> -> memref<1x128xi32, #tpu.memory_space<vmem>>
      %dma_start3A_88 = tpu.memref_squeeze %dma_start3A_87 : memref<1x128xi32, #tpu.memory_space<vmem>> -> memref<128xi32, #tpu.memory_space<vmem>>
      %dma_start3A_89 = arith.constant 0 : i32
      %dma_start3A_90 = arith.constant 0 : i32
      %dma_start3A_91 = tpu.memref_slice %arg9[%dma_start3A_89, %dma_start3A_90] : memref<10240x128xf32, #tpu.memory_space<vmem_shared>> -> memref<10240x128xf32, #tpu.memory_space<vmem_shared>>
      %dma_start3A_92 = tpu.memref_slice %arg11[%dma_start3A_81] : memref<2x!tpu.dma_semaphore, #tpu.memory_space<semaphore_mem>> -> memref<1x!tpu.dma_semaphore, #tpu.memory_space<semaphore_mem>>
      %dma_start3A_93 = tpu.memref_squeeze %dma_start3A_92 : memref<1x!tpu.dma_semaphore, #tpu.memory_space<semaphore_mem>> -> memref<!tpu.dma_semaphore, #tpu.memory_space<semaphore_mem>>
      tpu.enqueue_indirect_dma source(%dma_start3A_85 : memref<128x128xf32, #tpu.memory_space<vmem>>) target(%dma_start3A_91 : memref<10240x128xf32, #tpu.memory_space<vmem_shared>>) offsets(%dma_start3A_88 : memref<128xi32, #tpu.memory_space<vmem>>) semaphore(%dma_start3A_93 : memref<!tpu.dma_semaphore, #tpu.memory_space<semaphore_mem>>) {add = true}
      %dma_wait3A_94 = arith.constant 15 : i32
      %dma_wait3A_95 = arith.constant 1 : i32
      %dma_wait3A_96 = arith.constant 1 : i32
      %dma_wait3A_97 = arith.constant 0 : i32
      %dma_wait3A_98 = arith.constant 0 : i32
      %dma_wait3A_99 = tpu.memref_slice %arg8[%dma_wait3A_95, %dma_wait3A_97, %dma_wait3A_98] : memref<2x128x128xf32, #tpu.memory_space<vmem>> -> memref<1x128x128xf32, #tpu.memory_space<vmem>>
      %dma_wait3A_100 = tpu.memref_squeeze %dma_wait3A_99 : memref<1x128x128xf32, #tpu.memory_space<vmem>> -> memref<128x128xf32, #tpu.memory_space<vmem>>
      %dma_wait3A_101 = arith.constant 0 : i32
      %dma_wait3A_102 = tpu.memref_slice %arg6[%dma_wait3A_94, %dma_wait3A_101] : memref<16x128xi32, #tpu.memory_space<vmem>> -> memref<1x128xi32, #tpu.memory_space<vmem>>
      %dma_wait3A_103 = tpu.memref_squeeze %dma_wait3A_102 : memref<1x128xi32, #tpu.memory_space<vmem>> -> memref<128xi32, #tpu.memory_space<vmem>>
      %dma_wait3A_104 = arith.constant 0 : i32
      %dma_wait3A_105 = arith.constant 0 : i32
      %dma_wait3A_106 = tpu.memref_slice %arg2[%dma_wait3A_104, %dma_wait3A_105] : memref<10000x128xf32, #tpu.memory_space<hbm>> -> memref<10000x128xf32, #tpu.memory_space<hbm>>
      %dma_wait3A_107 = tpu.memref_slice %arg10[%dma_wait3A_96] : memref<2x!tpu.dma_semaphore, #tpu.memory_space<semaphore_mem>> -> memref<1x!tpu.dma_semaphore, #tpu.memory_space<semaphore_mem>>
      %dma_wait3A_108 = tpu.memref_squeeze %dma_wait3A_107 : memref<1x!tpu.dma_semaphore, #tpu.memory_space<semaphore_mem>> -> memref<!tpu.dma_semaphore, #tpu.memory_space<semaphore_mem>>
      tpu.wait_indirect_dma semaphore(%dma_wait3A_108 : memref<!tpu.dma_semaphore, #tpu.memory_space<semaphore_mem>>) src(%dma_wait3A_106 : memref<10000x128xf32, #tpu.memory_space<hbm>>) dst(%dma_wait3A_100 : memref<128x128xf32, #tpu.memory_space<vmem>>)
      %dma_start3A_109 = arith.constant 1 : i32
      %dma_start3A_110 = arith.constant 15 : i32
      %dma_start3A_111 = arith.constant 1 : i32
      %dma_start3A_112 = arith.constant 0 : i32
      %dma_start3A_113 = arith.constant 0 : i32
      %dma_start3A_114 = tpu.memref_slice %arg8[%dma_start3A_109, %dma_start3A_112, %dma_start3A_113] : memref<2x128x128xf32, #tpu.memory_space<vmem>> -> memref<1x128x128xf32, #tpu.memory_space<vmem>>
      %dma_start3A_115 = tpu.memref_squeeze %dma_start3A_114 : memref<1x128x128xf32, #tpu.memory_space<vmem>> -> memref<128x128xf32, #tpu.memory_space<vmem>>
      %dma_start3A_116 = arith.constant 0 : i32
      %dma_start3A_117 = tpu.memref_slice %arg7[%dma_start3A_110, %dma_start3A_116] : memref<16x128xi32, #tpu.memory_space<vmem>> -> memref<1x128xi32, #tpu.memory_space<vmem>>
      %dma_start3A_118 = tpu.memref_squeeze %dma_start3A_117 : memref<1x128xi32, #tpu.memory_space<vmem>> -> memref<128xi32, #tpu.memory_space<vmem>>
      %dma_start3A_119 = arith.constant 0 : i32
      %dma_start3A_120 = arith.constant 0 : i32
      %dma_start3A_121 = tpu.memref_slice %arg9[%dma_start3A_119, %dma_start3A_120] : memref<10240x128xf32, #tpu.memory_space<vmem_shared>> -> memref<10240x128xf32, #tpu.memory_space<vmem_shared>>
      %dma_start3A_122 = tpu.memref_slice %arg11[%dma_start3A_111] : memref<2x!tpu.dma_semaphore, #tpu.memory_space<semaphore_mem>> -> memref<1x!tpu.dma_semaphore, #tpu.memory_space<semaphore_mem>>
      %dma_start3A_123 = tpu.memref_squeeze %dma_start3A_122 : memref<1x!tpu.dma_semaphore, #tpu.memory_space<semaphore_mem>> -> memref<!tpu.dma_semaphore, #tpu.memory_space<semaphore_mem>>
      tpu.enqueue_indirect_dma source(%dma_start3A_115 : memref<128x128xf32, #tpu.memory_space<vmem>>) target(%dma_start3A_121 : memref<10240x128xf32, #tpu.memory_space<vmem_shared>>) offsets(%dma_start3A_118 : memref<128xi32, #tpu.memory_space<vmem>>) semaphore(%dma_start3A_123 : memref<!tpu.dma_semaphore, #tpu.memory_space<semaphore_mem>>) {add = true}
      %dma_wait3A_124 = arith.constant 0 : i32
      %dma_wait3A_125 = arith.constant 14 : i32
      %dma_wait3A_126 = arith.constant 0 : i32
      %dma_wait3A_127 = arith.constant 0 : i32
      %dma_wait3A_128 = arith.constant 0 : i32
      %dma_wait3A_129 = tpu.memref_slice %arg8[%dma_wait3A_124, %dma_wait3A_127, %dma_wait3A_128] : memref<2x128x128xf32, #tpu.memory_space<vmem>> -> memref<1x128x128xf32, #tpu.memory_space<vmem>>
      %dma_wait3A_130 = tpu.memref_squeeze %dma_wait3A_129 : memref<1x128x128xf32, #tpu.memory_space<vmem>> -> memref<128x128xf32, #tpu.memory_space<vmem>>
      %dma_wait3A_131 = arith.constant 0 : i32
      %dma_wait3A_132 = tpu.memref_slice %arg7[%dma_wait3A_125, %dma_wait3A_131] : memref<16x128xi32, #tpu.memory_space<vmem>> -> memref<1x128xi32, #tpu.memory_space<vmem>>
      %dma_wait3A_133 = tpu.memref_squeeze %dma_wait3A_132 : memref<1x128xi32, #tpu.memory_space<vmem>> -> memref<128xi32, #tpu.memory_space<vmem>>
      %dma_wait3A_134 = arith.constant 0 : i32
      %dma_wait3A_135 = arith.constant 0 : i32
      %dma_wait3A_136 = tpu.memref_slice %arg9[%dma_wait3A_134, %dma_wait3A_135] : memref<10240x128xf32, #tpu.memory_space<vmem_shared>> -> memref<10240x128xf32, #tpu.memory_space<vmem_shared>>
      %dma_wait3A_137 = tpu.memref_slice %arg11[%dma_wait3A_126] : memref<2x!tpu.dma_semaphore, #tpu.memory_space<semaphore_mem>> -> memref<1x!tpu.dma_semaphore, #tpu.memory_space<semaphore_mem>>
      %dma_wait3A_138 = tpu.memref_squeeze %dma_wait3A_137 : memref<1x!tpu.dma_semaphore, #tpu.memory_space<semaphore_mem>> -> memref<!tpu.dma_semaphore, #tpu.memory_space<semaphore_mem>>
      tpu.wait_indirect_dma semaphore(%dma_wait3A_138 : memref<!tpu.dma_semaphore, #tpu.memory_space<semaphore_mem>>) src(%dma_wait3A_130 : memref<128x128xf32, #tpu.memory_space<vmem>>) dst(%dma_wait3A_136 : memref<10240x128xf32, #tpu.memory_space<vmem_shared>>)
      %dma_wait3A_139 = arith.constant 1 : i32
      %dma_wait3A_140 = arith.constant 15 : i32
      %dma_wait3A_141 = arith.constant 1 : i32
      %dma_wait3A_142 = arith.constant 0 : i32
      %dma_wait3A_143 = arith.constant 0 : i32
      %dma_wait3A_144 = tpu.memref_slice %arg8[%dma_wait3A_139, %dma_wait3A_142, %dma_wait3A_143] : memref<2x128x128xf32, #tpu.memory_space<vmem>> -> memref<1x128x128xf32, #tpu.memory_space<vmem>>
      %dma_wait3A_145 = tpu.memref_squeeze %dma_wait3A_144 : memref<1x128x128xf32, #tpu.memory_space<vmem>> -> memref<128x128xf32, #tpu.memory_space<vmem>>
      %dma_wait3A_146 = arith.constant 0 : i32
      %dma_wait3A_147 = tpu.memref_slice %arg7[%dma_wait3A_140, %dma_wait3A_146] : memref<16x128xi32, #tpu.memory_space<vmem>> -> memref<1x128xi32, #tpu.memory_space<vmem>>
      %dma_wait3A_148 = tpu.memref_squeeze %dma_wait3A_147 : memref<1x128xi32, #tpu.memory_space<vmem>> -> memref<128xi32, #tpu.memory_space<vmem>>
      %dma_wait3A_149 = arith.constant 0 : i32
      %dma_wait3A_150 = arith.constant 0 : i32
      %dma_wait3A_151 = tpu.memref_slice %arg9[%dma_wait3A_149, %dma_wait3A_150] : memref<10240x128xf32, #tpu.memory_space<vmem_shared>> -> memref<10240x128xf32, #tpu.memory_space<vmem_shared>>
      %dma_wait3A_152 = tpu.memref_slice %arg11[%dma_wait3A_141] : memref<2x!tpu.dma_semaphore, #tpu.memory_space<semaphore_mem>> -> memref<1x!tpu.dma_semaphore, #tpu.memory_space<semaphore_mem>>
      %dma_wait3A_153 = tpu.memref_squeeze %dma_wait3A_152 : memref<1x!tpu.dma_semaphore, #tpu.memory_space<semaphore_mem>> -> memref<!tpu.dma_semaphore, #tpu.memory_space<semaphore_mem>>
      tpu.wait_indirect_dma semaphore(%dma_wait3A_153 : memref<!tpu.dma_semaphore, #tpu.memory_space<semaphore_mem>>) src(%dma_wait3A_145 : memref<128x128xf32, #tpu.memory_space<vmem>>) dst(%dma_wait3A_151 : memref<10240x128xf32, #tpu.memory_space<vmem_shared>>)
    }
    %scan3A_20 = arith.constant 5 : i32
    %barrier3A_21 = arith.constant 0 : index
    tpu.barrier barrier_id(%barrier3A_21)
    %mul3A_22 = arith.constant 640 : i32
    %mul3A_23 = arith.muli %arg1, %mul3A_22 : i32
    %mul3A_24 = arith.constant 640 : i32
    %mul3A_25 = arith.muli %arg1, %mul3A_24 : i32
    "tpu.region"() ({
      %run_scoped3A = tpu.sem_alloc : memref<!tpu.dma_semaphore, #tpu.memory_space<semaphore_mem>>
      %dma_start3A = arith.constant 0 : i32
      %dma_start3A_26 = tpu.memref_slice %arg5[%arg0, %mul3A_25, %dma_start3A] : memref<2x10240x128xf32, #tpu.memory_space<hbm>> -> memref<1x640x128xf32, #tpu.memory_space<hbm>>
      %dma_start3A_27 = tpu.memref_squeeze %dma_start3A_26 : memref<1x640x128xf32, #tpu.memory_space<hbm>> -> memref<640x128xf32, #tpu.memory_space<hbm>>
      %dma_start3A_28 = arith.constant 0 : i32
      %dma_start3A_29 = tpu.memref_slice %arg9[%mul3A_23, %dma_start3A_28] : memref<10240x128xf32, #tpu.memory_space<vmem_shared>> -> memref<640x128xf32, #tpu.memory_space<vmem_shared>>
      tpu.enqueue_dma source(%dma_start3A_29 : memref<640x128xf32, #tpu.memory_space<vmem_shared>>) target(%dma_start3A_27 : memref<640x128xf32, #tpu.memory_space<hbm>>) target_semaphore(%run_scoped3A : memref<!tpu.dma_semaphore, #tpu.memory_space<semaphore_mem>>)
      %dma_wait3A = arith.constant 0 : i32
      %dma_wait3A_30 = tpu.memref_slice %arg5[%arg0, %mul3A_25, %dma_wait3A] : memref<2x10240x128xf32, #tpu.memory_space<hbm>> -> memref<1x640x128xf32, #tpu.memory_space<hbm>>
      %dma_wait3A_31 = tpu.memref_squeeze %dma_wait3A_30 : memref<1x640x128xf32, #tpu.memory_space<hbm>> -> memref<640x128xf32, #tpu.memory_space<hbm>>
      %dma_wait3A_32 = arith.constant 0 : i32
      %dma_wait3A_33 = tpu.memref_slice %arg9[%mul3A_23, %dma_wait3A_32] : memref<10240x128xf32, #tpu.memory_space<vmem_shared>> -> memref<640x128xf32, #tpu.memory_space<vmem_shared>>
      tpu.wait_dma2 semaphore(%run_scoped3A : memref<!tpu.dma_semaphore, #tpu.memory_space<semaphore_mem>>) src(%dma_wait3A_33 : memref<640x128xf32, #tpu.memory_space<vmem_shared>>) dst(%dma_wait3A_31 : memref<640x128xf32, #tpu.memory_space<hbm>>)
      tpu.yield
    }) : () -> ()
    return
  }
}

module attributes {stable_mosaic.version = 14 : i64} {
  func.func @_mm_body(%arg0: i32, %arg1: memref<2000x128xf32, #tpu.memory_space<vmem>>, %arg2: memref<128x128xf32, #tpu.memory_space<vmem>>, %arg3: memref<2000x1xf32, #tpu.memory_space<vmem>>, %arg4: memref<2000x128xf32, #tpu.memory_space<vmem>>) attributes {dimension_semantics = [#tpu.dimension_semantics<arbitrary>], iteration_bounds = array<i64: 5>, scalar_prefetch = 0 : i64, scratch_operands = 0 : i64, tpu.core_type = #tpu.core_type<tc>, window_params = [{transform_indices = @transform_0, window_bounds = array<i64: 2000, 128>}, {pipeline_mode = #tpu.pipeline_mode<synchronous>, transform_indices = @transform_1, window_bounds = array<i64: 128, 128>}, {transform_indices = @transform_2, window_bounds = array<i64: 2000, 1>}, {transform_indices = @transform_3, window_bounds = array<i64: 2000, 128>}]} {
    %get3A = arith.constant 0 : index
    %get3A_0 = arith.constant 0 : index
    %get3A_1 = vector.load %arg3[%get3A, %get3A_0] : memref<2000x1xf32, #tpu.memory_space<vmem>>, vector<2000x1xf32>
    %rsqrt3A = math.rsqrt %get3A_1 : vector<2000x1xf32>
    %get3A_2 = arith.constant 0 : index
    %get3A_3 = arith.constant 0 : index
    %get3A_4 = vector.load %arg1[%get3A_2, %get3A_3] : memref<2000x128xf32, #tpu.memory_space<vmem>>, vector<2000x128xf32>
    %get3A_5 = arith.constant 0 : index
    %get3A_6 = arith.constant 0 : index
    %get3A_7 = vector.load %arg2[%get3A_5, %get3A_6] : memref<128x128xf32, #tpu.memory_space<vmem>>, vector<128x128xf32>
    %dot_general3A = arith.constant dense<0.000000e+00> : vector<2000x128xf32>
    %dot_general3A_8 = tpu.matmul %get3A_4, %get3A_7, %dot_general3A {dimension_numbers = #tpu.dot_dimension_numbers<[1], [0], [0], [1], [0, 0, 1, 1], [], []>, transpose_lhs_hint = false} : vector<2000x128xf32>, vector<128x128xf32>, vector<2000x128xf32> -> vector<2000x128xf32>
    %mul3A = vector.broadcast %rsqrt3A : vector<2000x1xf32> to vector<2000x128xf32>
    %mul3A_9 = arith.mulf %dot_general3A_8, %mul3A : vector<2000x128xf32>
    %swap3A = arith.constant 0 : index
    %swap3A_10 = arith.constant 0 : index
    %swap3A_11 = vector.load %arg4[%swap3A, %swap3A_10] : memref<2000x128xf32, #tpu.memory_space<vmem>>, vector<2000x128xf32>
    tpu.vector_store %arg4[%swap3A, %swap3A_10], %mul3A_9 {strides = array<i32>} : memref<2000x128xf32, #tpu.memory_space<vmem>>, vector<2000x128xf32>,
    return
  }
  func.func @transform_0(%arg0: i32) -> (i32, i32) {
    %c0_i32 = arith.constant 0 : i32
    %c0_i32_0 = arith.constant 0 : i32
    return %arg0, %c0_i32 : i32, i32
  }
  func.func @transform_1(%arg0: i32) -> (i32, i32) {
    %c0_i32 = arith.constant 0 : i32
    %c0_i32_0 = arith.constant 0 : i32
    %c0_i32_1 = arith.constant 0 : i32
    return %c0_i32, %c0_i32_0 : i32, i32
  }
  func.func @transform_2(%arg0: i32) -> (i32, i32) {
    %c0_i32 = arith.constant 0 : i32
    %c0_i32_0 = arith.constant 0 : i32
    return %arg0, %c0_i32 : i32, i32
  }
  func.func @transform_3(%arg0: i32) -> (i32, i32) {
    %c0_i32 = arith.constant 0 : i32
    %c0_i32_0 = arith.constant 0 : i32
    return %arg0, %c0_i32 : i32, i32
  }
}

module attributes {stable_mosaic.version = 14 : i64} {
  func.func @_fin_body(%arg0: i32, %arg1: memref<2000x128xf32, #tpu.memory_space<vmem>>, %arg2: memref<2000x128xf32, #tpu.memory_space<vmem>>, %arg3: memref<2000x128xf32, #tpu.memory_space<vmem>>, %arg4: memref<2000x1xf32, #tpu.memory_space<vmem>>, %arg5: memref<1x128xf32, #tpu.memory_space<vmem>>, %arg6: memref<2000x128xf32, #tpu.memory_space<vmem>>) attributes {dimension_semantics = [#tpu.dimension_semantics<arbitrary>], iteration_bounds = array<i64: 5>, scalar_prefetch = 0 : i64, scratch_operands = 0 : i64, tpu.core_type = #tpu.core_type<tc>, window_params = [{transform_indices = @transform_0, window_bounds = array<i64: 2000, 128>}, {transform_indices = @transform_1, window_bounds = array<i64: 2000, 128>}, {transform_indices = @transform_2, window_bounds = array<i64: 2000, 128>}, {transform_indices = @transform_3, window_bounds = array<i64: 2000, 1>}, {pipeline_mode = #tpu.pipeline_mode<synchronous>, transform_indices = @transform_4, window_bounds = array<i64: 1, 128>}, {transform_indices = @transform_5, window_bounds = array<i64: 2000, 128>}]} {
    %get3A = arith.constant 0 : index
    %get3A_0 = arith.constant 0 : index
    %get3A_1 = vector.load %arg4[%get3A, %get3A_0] : memref<2000x1xf32, #tpu.memory_space<vmem>>, vector<2000x1xf32>
    %rsqrt3A = math.rsqrt %get3A_1 : vector<2000x1xf32>
    %get3A_2 = arith.constant 0 : index
    %get3A_3 = arith.constant 0 : index
    %get3A_4 = vector.load %arg1[%get3A_2, %get3A_3] : memref<2000x128xf32, #tpu.memory_space<vmem>>, vector<2000x128xf32>
    %get3A_5 = arith.constant 0 : index
    %get3A_6 = arith.constant 0 : index
    %get3A_7 = vector.load %arg2[%get3A_5, %get3A_6] : memref<2000x128xf32, #tpu.memory_space<vmem>>, vector<2000x128xf32>
    %add3A = arith.addf %get3A_4, %get3A_7 : vector<2000x128xf32>
    %get3A_8 = arith.constant 0 : index
    %get3A_9 = arith.constant 0 : index
    %get3A_10 = vector.load %arg3[%get3A_8, %get3A_9] : memref<2000x128xf32, #tpu.memory_space<vmem>>, vector<2000x128xf32>
    %add3A_11 = arith.addf %add3A, %get3A_10 : vector<2000x128xf32>
    %mul3A = vector.broadcast %rsqrt3A : vector<2000x1xf32> to vector<2000x128xf32>
    %mul3A_12 = arith.mulf %add3A_11, %mul3A : vector<2000x128xf32>
    %get3A_13 = arith.constant 0 : index
    %get3A_14 = arith.constant 0 : index
    %get3A_15 = vector.load %arg5[%get3A_13, %get3A_14] : memref<1x128xf32, #tpu.memory_space<vmem>>, vector<1x128xf32>
    %add3A_16 = vector.broadcast %get3A_15 : vector<1x128xf32> to vector<2000x128xf32>
    %add3A_17 = arith.addf %mul3A_12, %add3A_16 : vector<2000x128xf32>
    %gt3A = arith.constant 0.000000e+00 : f32
    %gt3A_18 = vector.broadcast %gt3A : f32 to vector<2000x128xf32>
    %gt3A_19 = arith.cmpf ogt, %add3A_17, %gt3A_18 : vector<2000x128xf32>
    %min3A = arith.constant 0.000000e+00 : f32
    %min3A_20 = vector.broadcast %min3A : f32 to vector<2000x128xf32>
    %min3A_21 = arith.minimumf %add3A_17, %min3A_20 : vector<2000x128xf32>
    %exp3A = math.exp %min3A_21 : vector<2000x128xf32>
    %sub3A = arith.constant 1.000000e+00 : f32
    %sub3A_22 = vector.broadcast %sub3A : f32 to vector<2000x128xf32>
    %sub3A_23 = arith.subf %exp3A, %sub3A_22 : vector<2000x128xf32>
    %select_n3A = arith.select %gt3A_19, %add3A_17, %sub3A_23 : vector<2000x128xi1>, vector<2000x128xf32>
    %swap3A = arith.constant 0 : index
    %swap3A_24 = arith.constant 0 : index
    %swap3A_25 = vector.load %arg6[%swap3A, %swap3A_24] : memref<2000x128xf32, #tpu.memory_space<vmem>>, vector<2000x128xf32>
    tpu.vector_store %arg6[%swap3A, %swap3A_24], %select_n3A {strides = array<i32>} : memref<2000x128xf32, #tpu.memory_space<vmem>>, vector<2000x128xf32>,
    return
  }
  func.func @transform_0(%arg0: i32) -> (i32, i32) {
    %c0_i32 = arith.constant 0 : i32
    %c0_i32_0 = arith.constant 0 : i32
    return %arg0, %c0_i32 : i32, i32
  }
  func.func @transform_1(%arg0: i32) -> (i32, i32) {
    %c0_i32 = arith.constant 0 : i32
    %c0_i32_0 = arith.constant 0 : i32
    return %arg0, %c0_i32 : i32, i32
  }
  func.func @transform_2(%arg0: i32) -> (i32, i32) {
    %c0_i32 = arith.constant 0 : i32
    %c0_i32_0 = arith.constant 0 : i32
    return %arg0, %c0_i32 : i32, i32
  }
  func.func @transform_3(%arg0: i32) -> (i32, i32) {
    %c0_i32 = arith.constant 0 : i32
    %c0_i32_0 = arith.constant 0 : i32
    return %arg0, %c0_i32 : i32, i32
  }
  func.func @transform_4(%arg0: i32) -> (i32, i32) {
    %c0_i32 = arith.constant 0 : i32
    %c0_i32_0 = arith.constant 0 : i32
    %c0_i32_1 = arith.constant 0 : i32
    return %c0_i32, %c0_i32_0 : i32, i32
  }
  func.func @transform_5(%arg0: i32) -> (i32, i32) {
    %c0_i32 = arith.constant 0 : i32
    %c0_i32_0 = arith.constant 0 : i32
    return %arg0, %c0_i32 : i32, i32
  }
}

</mosaic_0001>

<sc_bundles>
// kernel: kernel.6.cloned.1.call-start
scs
__scs_entry_jumppad:
0x0: {  	(pc) =	sbr.rel $0x88, $3  }
0x1: {  	(tag) =	ssettag $0x0;
	lr =	simm.s32 $0x1  }
0x2: {  	[smem:$0x3F9D] =	sst lr;
	_ =	strace $0xD0000000  }
0x3: {  	_ = 	snop  }
0x4: {  	_ = 	snop  }
0x5: {  	_ = 	snop  }
0x6: {  	_ = 	snop  }
0x7: {  	_ = 	snop  }
__scs_overlays_trampoline_lowered:
0x8: {  	[smem:$0x3FAC] =	sst s0  }
0x9: {  	[smem:$0x3FAD] =	sst s1  }
0xa: {  	[smem:$0x3FAE] =	sst s2  }
0xb: {  	[smem:$0x3FAF] =	sst s3  }
0xc: {  	[smem:$0x3FB0] =	sst s4  }
0xd: {  	[smem:$0x3FB1] =	sst s5  }
0xe: {  	[smem:$0x3FB2] =	sst s6  }
0xf: {  	[smem:$0x3FB3] =	sst s7  }
0x10: {  	[smem:$0x3FB4] =	sst s8  }
0x11: {  	[smem:$0x3FB5] =	sst s9;
	s0 =	simm.s32 @!p0 $0x0  }
0x12: {  	s1 =	sld [smem:$0x3F9B];
	s0 =	simm.s32 @p0 $0x1  }
0x13: {  	[smem:$0x3FB6] =	sst s0;
	s0 =	simm.s32 @!p1 $0x0  }
0x14: {  	s2 =	sld [smem:$0x3F9A];
	s0 =	simm.s32 @p1 $0x1  }
0x15: {  	[smem:$0x3FB7] =	sst s0;
	s0 =	simm.s32 @!p2 $0x0  }
0x16: {  	s3 =	sld [smem:$0x3FDB];
	s0 =	simm.s32 @p2 $0x1  }
0x17: {  	s4 =	simm.s32 $0x1BF5;
	[smem:$0x3FB9] =	sst s0  }
0x18: {  	s0 =	sld [smem:$0x3F9C];
	_ =	swait.ge [sflag:s4], $0x0  }
0x19: {  	s7 =	sld [smem:$0x3F9D]  }
0x1a: {  	s8 =	sadd.s32 $0xFFFFE003, lr  }
0x1b: {  	s9 =	sadd.s32 $0xFFFFFEF7, lr;
	s5 =	simm.s32 $0xFFFFFFFF;
	p2 =	slt.u32 s8, $0xFFFFF086  }
0x1c: {  	p1 =	slt.u32 s9, $0xF7A;
	s5 =	simm.s32 @!p2 $0x0  }
0x1d: {  	s5 =	simm.s32 @p1 $0x1;
	p0 =	seq.s32 s7, s2  }
0x1e: {  	s7 =	smul.u32 @!p0 $0xF7A, s2;
	p2 =	seq.s32 @!p0 s5, $0x0  }
0x1f: {  	s9 =	smul.u32 $0xF7A, s1;
	s8 =	simm.s32 @!p0 $0x1BF5;
	p2 =	por !p2, p0  }
0x20: {  	[sflag:s8] =	ssyncset.s32 @!p0 $0xFFFFF086;
	s6 =	sadd.s32 @!p0 s3, s7;
	s7 =	simm.s32 @!p0 $0x108  }
0x21: {  	s3 =	sadd.s32 s3, s9;
	s6 =	sadd.s32 @!p0 $0x88, s6;
	s7 =	simm.s32 @p2 $0x1082  }
0x22: {  	[simem:s7], [sflag:s8] =	dma.local @!p0 [hbm:s6], $0xF7A  }
0x23: {  	s9 =	sor.u32 $0xD0000000, s2;
	s6 =	simm.s32 $0x108;
	_ =	swait.ge @!p0 [sflag:s8], $0x0  }
0x24: {  	s3 =	sadd.s32 $0x88, s3;
	s6 =	simm.s32 @!p1 $0x1082;
	[sflag:s4] =	ssyncset.s32 $0xFFFFF086  }
0x25: {  	[simem:s6], [sflag:s4] =	dma.local [hbm:s3], $0xF7A  }
0x26: {  	[smem:$0x3F9D] =	sst s1;
	(tag) =	ssettag s2;
	_ =	strace s9  }
0x27: {  	s1 =	sld [smem:$0x3FAD]  }
0x28: {  	s2 =	sld [smem:$0x3FAE]  }
0x29: {  	s4 =	sld [smem:$0x3FB0]  }
0x2a: {  	p0 =	seq.s32 s5, $0x0;
	s5 =	sld [smem:$0x3FB1]  }
0x2b: {  	s6 =	sld [smem:$0x3FB2]  }
0x2c: {  	s7 =	sld [smem:$0x3FB3]  }
0x2d: {  	s3 =	simm.s32 $0x108;
	s8 =	sld [smem:$0x3FB4]  }
0x2e: {  	s3 =	simm.s32 @!p0 $0x1082;
	s9 =	sld [smem:$0x3FB5]  }
0x2f: {  	lr =	sadd.s32 s0, s3;
	s0 =	sld [smem:$0x3FAC]  }
0x30: {  	s3 =	sld [smem:$0x3FAF]  }
0x31: {  	[smem:$0x3FB8] =	sst s10  }
0x32: {  	s10 =	sld [smem:$0x3FB6];
	_ =	sdelay $0x3  }
0x33: {  	p0 =	seq.s32 s10, $0x1;
	s10 =	sld [smem:$0x3FB8];
	_ =	sdelay $0x3  }
0x34: {  	[smem:$0x3FB8] =	sst s10  }
0x35: {  	s10 =	sld [smem:$0x3FB7];
	_ =	sdelay $0x3  }
0x36: {  	p1 =	seq.s32 s10, $0x1;
	s10 =	sld [smem:$0x3FB8];
	_ =	sdelay $0x3  }
0x37: {  	[smem:$0x3FB8] =	sst s10  }
0x38: {  	s10 =	sld [smem:$0x3FB9]  }
0x39: {  	_ = 	snop;
	(pc) =	sbr.ind lr, $3  }
0x3a: {  	_ = 	snop  }
0x3b: {  	_ = 	snop  }
0x3c: {  	p2 =	seq.s32 s10, $0x1;
	s10 =	sld [smem:$0x3FB8]  }
0x3d: {  	_ =	shalt  }
0x3e: {  	_ =	shalt  }
0x3f: {  	_ =	shalt  }
0x40: {  	_ =	shalt  }
0x41: {  	_ =	shalt  }
0x42: {  	_ =	shalt  }
0x43: {  	_ =	shalt  }
0x44: {  	_ =	shalt  }
0x45: {  	_ =	shalt  }
0x46: {  	_ =	shalt  }
0x47: {  	_ =	shalt  }
0x48: {  	_ =	shalt  }
0x49: {  	_ =	shalt  }
0x4a: {  	_ =	shalt  }
0x4b: {  	_ =	shalt  }
0x4c: {  	_ =	shalt  }
0x4d: {  	_ =	shalt  }
0x4e: {  	_ =	shalt  }
0x4f: {  	_ =	shalt  }
0x50: {  	_ =	shalt  }
0x51: {  	_ =	shalt  }
0x52: {  	_ =	shalt  }
0x53: {  	_ =	shalt  }
0x54: {  	_ =	shalt  }
0x55: {  	_ =	shalt  }
0x56: {  	_ =	shalt  }
0x57: {  	_ =	shalt  }
0x58: {  	_ =	shalt  }
0x59: {  	_ =	shalt  }
0x5a: {  	_ =	shalt  }
0x5b: {  	_ =	shalt  }
0x5c: {  	_ =	shalt  }
0x5d: {  	_ =	shalt  }
0x5e: {  	_ =	shalt  }
0x5f: {  	_ =	shalt  }
0x60: {  	_ =	shalt  }
0x61: {  	_ =	shalt  }
0x62: {  	_ =	shalt  }
0x63: {  	_ =	shalt  }
0x64: {  	_ =	shalt  }
0x65: {  	_ =	shalt  }
0x66: {  	_ =	shalt  }
0x67: {  	_ =	shalt  }
0x68: {  	_ =	shalt  }
0x69: {  	_ =	shalt  }
0x6a: {  	_ =	shalt  }
0x6b: {  	_ =	shalt  }
0x6c: {  	_ =	shalt  }
0x6d: {  	_ =	shalt  }
0x6e: {  	_ =	shalt  }
0x6f: {  	_ =	shalt  }
0x70: {  	_ =	shalt  }
0x71: {  	_ =	shalt  }
0x72: {  	_ =	shalt  }
0x73: {  	_ =	shalt  }
0x74: {  	_ =	shalt  }
0x75: {  	_ =	shalt  }
0x76: {  	_ =	shalt  }
0x77: {  	_ =	shalt  }
0x78: {  	_ =	shalt  }
0x79: {  	_ =	shalt  }
0x7a: {  	_ =	shalt  }
0x7b: {  	_ =	shalt  }
0x7c: {  	_ =	shalt  }
0x7d: {  	_ =	shalt  }
0x7e: {  	_ =	shalt  }
0x7f: {  	_ =	shalt  }
0x80: {  	_ =	shalt  }
0x81: {  	_ =	shalt  }
0x82: {  	_ =	shalt  }
0x83: {  	_ =	shalt  }
0x84: {  	_ =	shalt  }
0x85: {  	_ =	shalt  }
0x86: {  	_ =	shalt  }
0x87: {  	_ =	shalt  }
.Lfunc_end0:
.L_simem_size_0:
called_computation_lowered:
.L_overlay_start_0:
0x88: {  	s2 =	sld [smem:$0x3FD9]  }
0x89: {  	s3 =	sld [smem:$0x3FFE];
	_ =	sdelay $0x1  }
0x8a: {  	s1 =	srdreg.scid  }
0x8b: {  	s0 =	sand.u32 $0x1, s1  }
0x8c: {  	s17 =	sshll.u32 s0, $0xA;
	s2 =	sadd.s32 s3, s2  }
0x8d: {  	s2 =	sadd.s32 s2, s17  }
0x8e: {  	[smem:$0x3FC4] =	sst s2  }
0x8f: {  	_ = 	snop  }
0x90: {  	s2 =	sld [smem:$0x3FD0];
	(tm) =	ssettm $0x1  }
0x91: {  	s18 =	sld [smem:$0x3FFB];
	_ =	sdelay $0x3  }
0x92: {  	_ =	strace s18  }
0x93: {  	s3 =	sld [smem:$0x3FFC];
	_ =	sdelay $0x3  }
0x94: {  	_ =	strace s3  }
0x95: {  	s3 =	sld [smem:$0x3FFD];
	_ =	sdelay $0x3  }
0x96: {  	_ =	strace s3  }
0x97: {  	_ =	strace $0x8FFFFFFF  }
0x98: {  	s19 =	sld [smem:$0x3FDB];
	_ =	sdelay $0x1  }
0x99: {  	s4 =	simm.s32 $_scs_section_size  }
0x9a: {  	s5 =	simm.s32 $_size__tile_overlayer_lowered;
	s6 =	simm.s32 $_tile_overlayer_lowered  }
0x9b: {  	s22 =	simm.s32 $0x1BFF;
	s21 =	sshll.u32 s6, $0x1;
	s3 =	sadd.s32 s4, s19  }
0x9c: {  	s7 =	simm.s32 $0x0;
	s20 =	sshll.u32 s5, $0x1;
	s5 =	sadd.s32 s21, s3  }
0x9d: {  	[timem:s7], [sflag:s22] =	dma.local [hbm:s5], s20  }
0x9e: {  	_ =	swait.ge [sflag:s22], s20  }
0x9f: {  	s4 =	ssub.s32 $0x0, s20;
	[sflag:s22] =	ssyncset.done $0x0  }
0xa0: {  	[sflag:s22] =	ssyncadd.s32 s4;
	_ =	sdelay $0x1  }
0xa1: {  	s23 =	simm.s32 $0x1B8B  }
0xa2: {  	_ =	swait.ge [sflag:s23], $0x1  }
0xa3: {  	[sflag:s23] =	ssyncset.done $0x0  }
0xa4: {  	s25 =	simm.s32 $0x1B8E;
	s24 =	sld [smem:$0x3FFE];
	[sflag:s23] =	ssyncadd.s32 $0xFFFFFFFF  }
0xa5: {  	s26 =	simm.s32 $execute0_lowered;
	[smem:$0x3FD2] =	sst s25  }
0xa6: {  	s5 =	sshll.u32 s26, $0x1;
	_ =	strace $0x80000046;
	[dreg:$0x1] =	wrdreg $0xFFFFFFFF  }
0xa7: {  	s28 =	simm.s32 $_size_execute0_lowered;
	s3 =	sadd.s32 s3, s5;
	[dreg:$0x0] =	wrdreg $0x0  }
0xa8: {  	s5 =	sshll.u32 s28, $0x1;
	[dreg:$0x2] =	wrdreg s3  }
0xa9: {  	[dreg:$0x3] =	wrdreg s5  }
0xaa: {  	[dreg:$0x4] =	wrdreg $0xC0  }
0xab: {  	_ =	task [dreg:s7], $0x5FFFF  }
0xac: {  	[dreg:$0x1] =	wrdreg $0xFFFFFFFF  }
0xad: {  	[dreg:$0x0] =	wrdreg $0x60  }
0xae: {  	[dreg:$0x2] =	wrdreg s2  }
0xaf: {  	[dreg:$0x3] =	wrdreg s24  }
0xb0: {  	[dreg:$0x4] =	wrdreg $0xAB800  }
0xb1: {  	[dreg:$0x5] =	wrdreg $0x9  }
0xb2: {  	_ =	task.clear_ibuf [dreg:s7], $0x6FFFF;
	_ =	strace $0x90000046  }
0xb3: {  	s29 =	simm.s32 $0x9;
	_ =	strace $0x80000048  }
0xb4: {  	_ =	swait.ge [sflag:s29], $0x1  }
0xb5: {  	[sflag:s29] =	ssyncadd.s32 $0xFFFFFFFF  }
0xb6: {  	_ =	strace $0x90000048  }
0xb7: {  	_ =	sfence  }
0xb8: {  	s30 =	sld [smem:$0x0];
	_ =	sdelay $0x2  }
0xb9: {  	s31 =	sshll.u32 s1, $0xD;
	s1 =	sshrl.u32 s1, $0x2  }
0xba: {  	s3 =	sand.u32 $0x4000, s31;
	s1 =	sadd.s32 s1, s30  }
0xbb: {  	s0 =	sor.u32 s3, s0;
	s1 =	sshll.u32 s1, $0x11  }
0xbc: {  	s0 =	sor.u32 s1, s0  }
0xbd: {  	s0 =	sadd.s32 $0x8F2B, s0  }
0xbe: {  	[sflag:s0] =	ssyncadd.remote.s32 $0x1  }
0xbf: {  	_ =	sfence.sel $0xFFFF  }
0xc0: {  	[dreg:$0x0] =	wrdreg $0xFFFFFFFF;
	(pc) =	sbr.abs _section_cstart, $3  }
0xc1: {  	[dreg:$0x1] =	wrdreg $0xFFFFFFFF  }
0xc2: {  	_ =	task.clear_ibuf [dreg:s7], $0x2FFFF;
	_ =	strace $0x9FFFFFFF  }
0xc3: {  	(tm) =	ssettm $0x7FFFFFFF  }
tec
execute0_lowered:
.L_overlay_start_1:
0x0: {  	(tag) =	ssettag $0x1  }
0x1: {  	s3 =	rddreg [dreg:$0x0]  }
0x2: {  	s4 =	rddreg [dreg:$0x1]  }
0x3: {  	s5 =	rddreg [dreg:$0x2]  }
0x4: {  	s0 =	rddreg [dreg:$0x3];
	s2 =	simm.s32 $0x0  }
0x5: {  	s6 =	srdreg.scid;
	s1 =	stileid.u32;
	s11 =	simm.s32 $0x400  }
0x6: {  	s12 =	simm.s32 $0x2000;
	s13 =	simm.s32 $0x20000;
	s14 =	simm.s32 $0x6780  }
0x7: {  	s15 =	simm.s32 $0x100;
	s16 =	simm.s32 $0xA780;
	s17 =	simm.s32 $0x0  }
0x8: {  	[smem:$0x7FF] =	sst s2;
	s6 =	sand.u32 $0x1, s6;
	s7 =	sshll.u32 s1, $0x1  }
0x9: {  	s26 =	sshll.u32 s1, $0xE;
	s28 =	sshll.u32 s1, $0x7;
	s30 =	sshll.u32 s1, $0x8  }
0xa: {  	s10 =	sshll.u32 s1, $0xD;
	_ =	strace $0x80000047;
	s8 =	sshll.u32 s6, $0x4  }
0xb: {  	s9 =	ssub.s32 $0x2, s6;
	s6 =	sor.u32 s6, s7;
	s29 =	sand.u32 $0x380, s28  }
0xc: {  	s23 =	sadd.s32 s8, s4;
	s24 =	sshrl.u32 s9, $0x1;
	s6 =	smul.u32 $0x4E2, s6  }
0xd: {  	s4 =	sand.u32 $0x20000, s26;
	s8 =	simm.s32 $0x4000;
	s25 =	ssub.s32 s9, s24  }
0xe: {  	s4 =	sadd.s32 s4, s5;
	s5 =	sadd.s32 s10, s5;
	s31 =	sadd.s32 s30, s23  }
0xf: {  	s9 =	simm.s32 $0x1;
	s10 =	simm.s32 $0x80;
	s3 =	sadd.s32 s3, s6  }
0x10: {  	v0 =	vimm.s32 $0x0;
	v1 =	vimm.s32 $0x1;
	s4 =	sadd.s32 s29, s4;
	s6 =	sadd.s32 $0x1600, s31;
	s7 =	smax.u32 s25, $0x1  }
.LBB2_1:
0x11: {  	[tilespmem:s8], [sflag:$0x1] =	stream.linear.gather [hbm4b:s3+s2], $0x2710, $0x38;
	[tilespmem:$0xEB80] =	vst v63  }
0x12: {  	_ =	swait.ge [sflag:s9], $0x2710  }
0x13: {  	[sflag:s9] =	ssyncset.done $0x0  }
0x14: {  	s18 =	simm.s32 $0x0;
	[sflag:s9] =	ssyncadd.s32 $0xFFFFD8F0  }
.LBB2_2:
0x15: {  	p0 =	sne.s32 s18, $0xFFC0  }
.Ltmp0:
0x16: {  	_ = 	snop;
	(pc) =	sbr.rel @p0 .LBB2_2-.Ltmp0, $3  }
0x17: {  	_ =	sdelay $0x1  }
0x18: {  	s19 =	sshra.s32 s18, $0x2  }
0x19: {  	s18 =	sadd.s32 $0x40, s18;
	[tilespmem:s19+$0x0] =	vst v0  }
0x1a: {  	s19 =	simm.s32 $0x0;
	s18 =	simm.s32 $0x40  }
.LBB2_4:
0x1b: {  	p0 =	sne.s32 s18, $0x9C00;
	v2 =	vld [tilespmem:s19+$0x4000];
	_ =	sdelay $0x3  }
.Ltmp1:
0x1c: {  	(pc) =	sbr.rel @p0 .LBB2_4-.Ltmp1, $2  }
0x1d: {  	_ =	sdelay $0x2  }
0x1e: {  	s19 =	sshra.s32 s18, $0x2;
	s18 =	sadd.s32 $0x40, s18;
	[tilespmem:v2+s2+$0x0] =	vst.idx.add.s32.msk $0xffff, v1  }
0x1f: {  	v2 =	vld [tilespmem:s19+$0x4000];
	_ =	sdelay $0x7  }
0x20: {  	s18 =	simm.s32 $0x0;
	[tilespmem:v2+s2+$0x0] =	vst.idx.add.s32.msk $0xffff, v1  }
0x21: {  	[spmem:s4] =	stream.strided.scatter [tilespmem:s18], [sflag:$0x1], $0x4000, s11, s10, $0x38;
	[tilespmem:$0xEB80] =	vst v63  }
0x22: {  	_ =	swait.ge [sflag:s9], $0x4000  }
0x23: {  	[sflag:s9] =	ssyncset.done $0x0  }
0x24: {  	[sflag:s9] =	ssyncadd.s32 $0xFFFFC000  }
0x25: {  	[bflag:$0x0] =	sbarrier.arrive $0xFFFF  }
0x26: {  	[tilespmem:s14], [sflag:$0x1] =	stream.strided.gather [spmem:s5], $0x4000, s13, s12, $0x38;
	[tilespmem:$0xEB80] =	vst v63  }
0x27: {  	_ =	swait.ge [sflag:s9], $0x4000  }
0x28: {  	[sflag:s9] =	ssyncset.done $0x0  }
0x29: {  	s19 =	simm.s32 $0x0;
	[sflag:s9] =	ssyncadd.s32 $0xFFFFC000  }
.LBB2_6:
0x2a: {  	s20 =	sshll.u32 s19, $0x4  }
0x2b: {  	s21 =	sand.u32 $0x70, s20  }
0x2c: {  	s22 =	sshll.u32 s19, $0x7;
	v2 =	vmov s21  }
0x2d: {  	s30 =	sand.u32 $0x1C00, s22  }
0x2e: {  	s31 =	sand.u32 $0x2000, s18;
	s21 =	sadd.s32 $0x6780, s30  }
0x2f: {  	s23 =	sand.u32 $0x380, s18;
	s22 =	sadd.s32 s31, s21  }
0x30: {  	s23 =	sadd.s32 s23, s22  }
0x31: {  	v4 =	vld.idx.msk [tilespmem:v2+s23+$0x0 ss:$0x1], $0xffff  }
0x32: {  	v3 =	vimm.s32 $0x0;
	s22 =	simm.s32 $0x400;
	s23 =	simm.s32 $0x80  }
.LBB2_7:
0x33: {  	s24 =	sand.u32 $0x2000, s22;
	p0 =	sne.s32 s22, $0x3C00;
	s22 =	sadd.s32 $0x400, s22  }
.Ltmp2:
0x34: {  	s25 =	sand.u32 $0x380, s23;
	s24 =	sadd.s32 s24, s21;
	(pc) =	sbr.rel @p0 .LBB2_7-.Ltmp2, $3  }
0x35: {  	s24 =	sadd.s32 s25, s24  }
0x36: {  	v3 =	vadd.s32 v3, v4;
	v4 =	vld.idx.msk [tilespmem:v2+s24+$0x0 ss:$0x1], $0xffff;
	_ =	sdelay $0x1  }
0x37: {  	s23 =	sadd.s32 $0x80, s23  }
0x38: {  	s19 =	sadd.s32 $0x1, s19  }
0x39: {  	p0 =	sne.s32 s19, $0x40  }
.Ltmp3:
0x3a: {  	_ = 	snop;
	(pc) =	sbr.rel @p0 .LBB2_6-.Ltmp3, $3  }
0x3b: {  	v2 =	vadd.s32 v3, v4  }
0x3c: {  	v2 =	vcvt.s32.f32 v2;
	_ =	sdelay $0x1  }
0x3d: {  	[tilespmem:s20+$0xA780] =	vst v2  }
0x3e: {  	s17 =	sadd.s32 $0x1, s17  }
0x3f: {  	p0 =	sne.s32 s17, s7  }
.Ltmp4:
0x40: {  	_ = 	snop;
	(pc) =	sbr.rel @p0 .LBB2_1-.Ltmp4, $4  }
0x41: {  	[hbm4b:s6+s10] =	stream.strided.scatter [tilespmem:s16], [sflag:$0x1], $0x400, s15, s10, $0x38;
	[tilespmem:$0xEB80] =	vst v63  }
0x42: {  	_ =	swait.ge [sflag:s9], $0x400  }
0x43: {  	[sflag:s9] =	ssyncset.done $0x0  }
0x44: {  	[sflag:s9] =	ssyncadd.s32 $0xFFFFFC00  }
0x45: {  	_ =	sfence.sel $0x180000  }
0x46: {  	[bflag:$0x0] =	sbarrier.arrive $0xFFFF  }
0x47: {  	p0 =	sne.s32 s1, $0x0;
	_ =	strace $0x90000047  }
0x48: {  	s0 =	sadd.s32 @!p0 $0x100000, s0;
	[bflag:$0x2] =	sbarrier.arrive $0xFFFF  }
0x49: {  	[sflag:s0] =	ssyncadd.tile.s32 @!p0 $0x1;
	_ =	shalt  }
.Lfunc_end2:
_tile_overlayer_lowered:
.L_overlay_start_2:
0x4a: {  	(tag) =	ssettag $0x2  }
0x4b: {  	s0 =	rddreg [dreg:$0x0];
	s2 =	stileid.u32  }
0x4c: {  	s1 =	rddreg [dreg:$0x1];
	p0 =	sne.s32 s2, $0x0  }
0x4d: {  	s3 =	rddreg [dreg:$0x2];
	[bflag:$0x3] =	sbarrier.arrive $0xFFFF;
	s2 =	simm.s32 @!p0 $0x1C01  }
0x4e: {  	[timem:s3], [sflag:s2] =	dma.local @!p0 [hbm:s0], s1  }
0x4f: {  	s0 =	simm.s32 @!p0 $0x1  }
0x50: {  	_ =	swait.ge @!p0 [sflag:s0], s1  }
0x51: {  	s1 =	ssub.s32 @!p0 $0x0, s1;
	[sflag:s0] =	ssyncset.done @!p0 $0x0  }
0x52: {  	[sflag:s0] =	ssyncadd.s32 @!p0 s1  }
0x53: {  	[bflag:$0x3] =	sbarrier.arrive $0xFFFF  }
0x54: {  	_ =	shalt  }

// kernel: kernel.9.cloned.1.call-start
scs
__scs_entry_jumppad:
0x0: {  	(pc) =	sbr.rel $0x88, $3  }
0x1: {  	(tag) =	ssettag $0x0;
	lr =	simm.s32 $0x1  }
0x2: {  	[smem:$0x3F9D] =	sst lr;
	_ =	strace $0xD0000000  }
0x3: {  	_ = 	snop  }
0x4: {  	_ = 	snop  }
0x5: {  	_ = 	snop  }
0x6: {  	_ = 	snop  }
0x7: {  	_ = 	snop  }
__scs_overlays_trampoline_lowered:
0x8: {  	[smem:$0x3FAC] =	sst s0  }
0x9: {  	[smem:$0x3FAD] =	sst s1  }
0xa: {  	[smem:$0x3FAE] =	sst s2  }
0xb: {  	[smem:$0x3FAF] =	sst s3  }
0xc: {  	[smem:$0x3FB0] =	sst s4  }
0xd: {  	[smem:$0x3FB1] =	sst s5  }
0xe: {  	[smem:$0x3FB2] =	sst s6  }
0xf: {  	[smem:$0x3FB3] =	sst s7  }
0x10: {  	[smem:$0x3FB4] =	sst s8  }
0x11: {  	[smem:$0x3FB5] =	sst s9;
	s0 =	simm.s32 @!p0 $0x0  }
0x12: {  	s1 =	sld [smem:$0x3F9B];
	s0 =	simm.s32 @p0 $0x1  }
0x13: {  	[smem:$0x3FB6] =	sst s0;
	s0 =	simm.s32 @!p1 $0x0  }
0x14: {  	s2 =	sld [smem:$0x3F9A];
	s0 =	simm.s32 @p1 $0x1  }
0x15: {  	[smem:$0x3FB7] =	sst s0;
	s0 =	simm.s32 @!p2 $0x0  }
0x16: {  	s3 =	sld [smem:$0x3FDB];
	s0 =	simm.s32 @p2 $0x1  }
0x17: {  	s4 =	simm.s32 $0x1BF5;
	[smem:$0x3FB9] =	sst s0  }
0x18: {  	s0 =	sld [smem:$0x3F9C];
	_ =	swait.ge [sflag:s4], $0x0  }
0x19: {  	s7 =	sld [smem:$0x3F9D]  }
0x1a: {  	s8 =	sadd.s32 $0xFFFFE003, lr  }
0x1b: {  	s9 =	sadd.s32 $0xFFFFFEF7, lr;
	s5 =	simm.s32 $0xFFFFFFFF;
	p2 =	slt.u32 s8, $0xFFFFF086  }
0x1c: {  	p1 =	slt.u32 s9, $0xF7A;
	s5 =	simm.s32 @!p2 $0x0  }
0x1d: {  	s5 =	simm.s32 @p1 $0x1;
	p0 =	seq.s32 s7, s2  }
0x1e: {  	s7 =	smul.u32 @!p0 $0xF7A, s2;
	p2 =	seq.s32 @!p0 s5, $0x0  }
0x1f: {  	s9 =	smul.u32 $0xF7A, s1;
	s8 =	simm.s32 @!p0 $0x1BF5;
	p2 =	por !p2, p0  }
0x20: {  	[sflag:s8] =	ssyncset.s32 @!p0 $0xFFFFF086;
	s6 =	sadd.s32 @!p0 s3, s7;
	s7 =	simm.s32 @!p0 $0x108  }
0x21: {  	s3 =	sadd.s32 s3, s9;
	s6 =	sadd.s32 @!p0 $0x88, s6;
	s7 =	simm.s32 @p2 $0x1082  }
0x22: {  	[simem:s7], [sflag:s8] =	dma.local @!p0 [hbm:s6], $0xF7A  }
0x23: {  	s9 =	sor.u32 $0xD0000000, s2;
	s6 =	simm.s32 $0x108;
	_ =	swait.ge @!p0 [sflag:s8], $0x0  }
0x24: {  	s3 =	sadd.s32 $0x88, s3;
	s6 =	simm.s32 @!p1 $0x1082;
	[sflag:s4] =	ssyncset.s32 $0xFFFFF086  }
0x25: {  	[simem:s6], [sflag:s4] =	dma.local [hbm:s3], $0xF7A  }
0x26: {  	[smem:$0x3F9D] =	sst s1;
	(tag) =	ssettag s2;
	_ =	strace s9  }
0x27: {  	s1 =	sld [smem:$0x3FAD]  }
0x28: {  	s2 =	sld [smem:$0x3FAE]  }
0x29: {  	s4 =	sld [smem:$0x3FB0]  }
0x2a: {  	p0 =	seq.s32 s5, $0x0;
	s5 =	sld [smem:$0x3FB1]  }
0x2b: {  	s6 =	sld [smem:$0x3FB2]  }
0x2c: {  	s7 =	sld [smem:$0x3FB3]  }
0x2d: {  	s3 =	simm.s32 $0x108;
	s8 =	sld [smem:$0x3FB4]  }
0x2e: {  	s3 =	simm.s32 @!p0 $0x1082;
	s9 =	sld [smem:$0x3FB5]  }
0x2f: {  	lr =	sadd.s32 s0, s3;
	s0 =	sld [smem:$0x3FAC]  }
0x30: {  	s3 =	sld [smem:$0x3FAF]  }
0x31: {  	[smem:$0x3FB8] =	sst s10  }
0x32: {  	s10 =	sld [smem:$0x3FB6];
	_ =	sdelay $0x3  }
0x33: {  	p0 =	seq.s32 s10, $0x1;
	s10 =	sld [smem:$0x3FB8];
	_ =	sdelay $0x3  }
0x34: {  	[smem:$0x3FB8] =	sst s10  }
0x35: {  	s10 =	sld [smem:$0x3FB7];
	_ =	sdelay $0x3  }
0x36: {  	p1 =	seq.s32 s10, $0x1;
	s10 =	sld [smem:$0x3FB8];
	_ =	sdelay $0x3  }
0x37: {  	[smem:$0x3FB8] =	sst s10  }
0x38: {  	s10 =	sld [smem:$0x3FB9]  }
0x39: {  	_ = 	snop;
	(pc) =	sbr.ind lr, $3  }
0x3a: {  	_ = 	snop  }
0x3b: {  	_ = 	snop  }
0x3c: {  	p2 =	seq.s32 s10, $0x1;
	s10 =	sld [smem:$0x3FB8]  }
0x3d: {  	_ =	shalt  }
0x3e: {  	_ =	shalt  }
0x3f: {  	_ =	shalt  }
0x40: {  	_ =	shalt  }
0x41: {  	_ =	shalt  }
0x42: {  	_ =	shalt  }
0x43: {  	_ =	shalt  }
0x44: {  	_ =	shalt  }
0x45: {  	_ =	shalt  }
0x46: {  	_ =	shalt  }
0x47: {  	_ =	shalt  }
0x48: {  	_ =	shalt  }
0x49: {  	_ =	shalt  }
0x4a: {  	_ =	shalt  }
0x4b: {  	_ =	shalt  }
0x4c: {  	_ =	shalt  }
0x4d: {  	_ =	shalt  }
0x4e: {  	_ =	shalt  }
0x4f: {  	_ =	shalt  }
0x50: {  	_ =	shalt  }
0x51: {  	_ =	shalt  }
0x52: {  	_ =	shalt  }
0x53: {  	_ =	shalt  }
0x54: {  	_ =	shalt  }
0x55: {  	_ =	shalt  }
0x56: {  	_ =	shalt  }
0x57: {  	_ =	shalt  }
0x58: {  	_ =	shalt  }
0x59: {  	_ =	shalt  }
0x5a: {  	_ =	shalt  }
0x5b: {  	_ =	shalt  }
0x5c: {  	_ =	shalt  }
0x5d: {  	_ =	shalt  }
0x5e: {  	_ =	shalt  }
0x5f: {  	_ =	shalt  }
0x60: {  	_ =	shalt  }
0x61: {  	_ =	shalt  }
0x62: {  	_ =	shalt  }
0x63: {  	_ =	shalt  }
0x64: {  	_ =	shalt  }
0x65: {  	_ =	shalt  }
0x66: {  	_ =	shalt  }
0x67: {  	_ =	shalt  }
0x68: {  	_ =	shalt  }
0x69: {  	_ =	shalt  }
0x6a: {  	_ =	shalt  }
0x6b: {  	_ =	shalt  }
0x6c: {  	_ =	shalt  }
0x6d: {  	_ =	shalt  }
0x6e: {  	_ =	shalt  }
0x6f: {  	_ =	shalt  }
0x70: {  	_ =	shalt  }
0x71: {  	_ =	shalt  }
0x72: {  	_ =	shalt  }
0x73: {  	_ =	shalt  }
0x74: {  	_ =	shalt  }
0x75: {  	_ =	shalt  }
0x76: {  	_ =	shalt  }
0x77: {  	_ =	shalt  }
0x78: {  	_ =	shalt  }
0x79: {  	_ =	shalt  }
0x7a: {  	_ =	shalt  }
0x7b: {  	_ =	shalt  }
0x7c: {  	_ =	shalt  }
0x7d: {  	_ =	shalt  }
0x7e: {  	_ =	shalt  }
0x7f: {  	_ =	shalt  }
0x80: {  	_ =	shalt  }
0x81: {  	_ =	shalt  }
0x82: {  	_ =	shalt  }
0x83: {  	_ =	shalt  }
0x84: {  	_ =	shalt  }
0x85: {  	_ =	shalt  }
0x86: {  	_ =	shalt  }
0x87: {  	_ =	shalt  }
.Lfunc_end0:
.L_simem_size_0:
called_computation.1_lowered:
.L_overlay_start_0:
0x88: {  	s2 =	sld [smem:$0x3FD9]  }
0x89: {  	s3 =	sld [smem:$0x3FFE];
	_ =	sdelay $0x1  }
0x8a: {  	s1 =	srdreg.scid  }
0x8b: {  	s0 =	sand.u32 $0x1, s1  }
0x8c: {  	s17 =	sshll.u32 s0, $0xA;
	s2 =	sadd.s32 s3, s2  }
0x8d: {  	s2 =	sadd.s32 s2, s17  }
0x8e: {  	[smem:$0x3FC4] =	sst s2  }
0x8f: {  	_ = 	snop  }
0x90: {  	s2 =	sld [smem:$0x3FD0];
	(tm) =	ssettm $0x1  }
0x91: {  	s18 =	sld [smem:$0x3FFB];
	_ =	sdelay $0x3  }
0x92: {  	_ =	strace s18  }
0x93: {  	s3 =	sld [smem:$0x3FFC];
	_ =	sdelay $0x3  }
0x94: {  	_ =	strace s3  }
0x95: {  	s3 =	sld [smem:$0x3FFD];
	_ =	sdelay $0x3  }
0x96: {  	_ =	strace s3  }
0x97: {  	_ =	strace $0x8FFFFFFF  }
0x98: {  	s19 =	sld [smem:$0x3FDB];
	_ =	sdelay $0x1  }
0x99: {  	s4 =	simm.s32 $_scs_section_size  }
0x9a: {  	s5 =	simm.s32 $_size__tile_overlayer_lowered;
	s6 =	simm.s32 $_tile_overlayer_lowered  }
0x9b: {  	s22 =	simm.s32 $0x1BFF;
	s21 =	sshll.u32 s6, $0x1;
	s3 =	sadd.s32 s4, s19  }
0x9c: {  	s7 =	simm.s32 $0x0;
	s20 =	sshll.u32 s5, $0x1;
	s5 =	sadd.s32 s21, s3  }
0x9d: {  	[timem:s7], [sflag:s22] =	dma.local [hbm:s5], s20  }
0x9e: {  	_ =	swait.ge [sflag:s22], s20  }
0x9f: {  	s4 =	ssub.s32 $0x0, s20;
	[sflag:s22] =	ssyncset.done $0x0  }
0xa0: {  	[sflag:s22] =	ssyncadd.s32 s4;
	_ =	sdelay $0x1  }
0xa1: {  	s23 =	simm.s32 $0x1B8B  }
0xa2: {  	_ =	swait.ge [sflag:s23], $0x1  }
0xa3: {  	[sflag:s23] =	ssyncset.done $0x0  }
0xa4: {  	s25 =	simm.s32 $0x1B8E;
	s24 =	sld [smem:$0x3FFE];
	[sflag:s23] =	ssyncadd.s32 $0xFFFFFFFF  }
0xa5: {  	s26 =	simm.s32 $execute0_lowered;
	[smem:$0x3FD2] =	sst s25  }
0xa6: {  	s5 =	sshll.u32 s26, $0x1;
	_ =	strace $0x80000049;
	[dreg:$0x1] =	wrdreg $0xFFFFFFFF  }
0xa7: {  	s28 =	simm.s32 $_size_execute0_lowered;
	s3 =	sadd.s32 s3, s5;
	[dreg:$0x0] =	wrdreg $0x0  }
0xa8: {  	s5 =	sshll.u32 s28, $0x1;
	[dreg:$0x2] =	wrdreg s3  }
0xa9: {  	[dreg:$0x3] =	wrdreg s5  }
0xaa: {  	[dreg:$0x4] =	wrdreg $0xC0  }
0xab: {  	_ =	task [dreg:s7], $0x5FFFF  }
0xac: {  	[dreg:$0x1] =	wrdreg $0xFFFFFFFF  }
0xad: {  	[dreg:$0x0] =	wrdreg $0x60  }
0xae: {  	[dreg:$0x2] =	wrdreg s2  }
0xaf: {  	[dreg:$0x3] =	wrdreg s24  }
0xb0: {  	[dreg:$0x4] =	wrdreg $0x90000  }
0xb1: {  	[dreg:$0x5] =	wrdreg $0x9  }
0xb2: {  	_ =	task.clear_ibuf [dreg:s7], $0x6FFFF;
	_ =	strace $0x90000049  }
0xb3: {  	s29 =	simm.s32 $0x9;
	_ =	strace $0x8000004B  }
0xb4: {  	_ =	swait.ge [sflag:s29], $0x1  }
0xb5: {  	[sflag:s29] =	ssyncadd.s32 $0xFFFFFFFF  }
0xb6: {  	_ =	strace $0x9000004B  }
0xb7: {  	_ =	sfence  }
0xb8: {  	s30 =	sld [smem:$0x0];
	_ =	sdelay $0x2  }
0xb9: {  	s31 =	sshll.u32 s1, $0xD;
	s1 =	sshrl.u32 s1, $0x2  }
0xba: {  	s3 =	sand.u32 $0x4000, s31;
	s1 =	sadd.s32 s1, s30  }
0xbb: {  	s0 =	sor.u32 s3, s0;
	s1 =	sshll.u32 s1, $0x11  }
0xbc: {  	s0 =	sor.u32 s1, s0  }
0xbd: {  	s0 =	sadd.s32 $0x8F2B, s0  }
0xbe: {  	[sflag:s0] =	ssyncadd.remote.s32 $0x1  }
0xbf: {  	_ =	sfence.sel $0xFFFF  }
0xc0: {  	[dreg:$0x0] =	wrdreg $0xFFFFFFFF;
	(pc) =	sbr.abs _section_cstart, $3  }
0xc1: {  	[dreg:$0x1] =	wrdreg $0xFFFFFFFF  }
0xc2: {  	_ =	task.clear_ibuf [dreg:s7], $0x2FFFF;
	_ =	strace $0x9FFFFFFF  }
0xc3: {  	(tm) =	ssettm $0x7FFFFFFF  }
tec
execute0_lowered:
.L_overlay_start_1:
0x0: {  	(tag) =	ssettag $0x1  }
0x1: {  	s1 =	rddreg [dreg:$0x0]  }
0x2: {  	s0 =	srdreg.scid;
	s5 =	rddreg [dreg:$0x1]  }
0x3: {  	s9 =	stileid.u32;
	s3 =	rddreg [dreg:$0x2]  }
0x4: {  	s4 =	simm.s32 $0x0;
	s12 =	simm.s32 $0x180;
	s2 =	smul.u32 $0x5000, s9  }
0x5: {  	s14 =	simm.s32 $0x900;
	s16 =	simm.s32 $0x980;
	s8 =	smul.u32 $0x14000, s9  }
0x6: {  	[smem:$0x7FF] =	sst s4;
	s23 =	smul.u32 $0x50000, s9;
	s9 =	simm.s32 $0x100  }
0x7: {  	s18 =	simm.s32 $0x200;
	_ =	strace $0x8000004A;
	[dreg:$0x7] =	wrdreg s9  }
0x8: {  	s19 =	simm.s32 $0x280;
	s20 =	simm.s32 $0xA00;
	[dreg:$0x8] =	wrdreg s12  }
0x9: {  	s21 =	simm.s32 $0xA80;
	s28 =	simm.s32 $0xD80;
	[dreg:$0x9] =	wrdreg s14  }
0xa: {  	s29 =	simm.s32 $0x600;
	s0 =	sand.u32 $0x1, s0;
	[dreg:$0xa] =	wrdreg s16  }
0xb: {  	s30 =	simm.s32 $0x680;
	s6 =	smul.u32 $0x2800, s0;
	[dreg:$0xb] =	wrdreg s18  }
0xc: {  	s31 =	simm.s32 $0xE00;
	s7 =	smul.u32 $0x140000, s0;
	[dreg:$0xc] =	wrdreg s19  }
0xd: {  	s0 =	ssub.s32 $0x2, s0;
	s12 =	simm.s32 $0x1000;
	[dreg:$0xd] =	wrdreg s20  }
0xe: {  	s14 =	simm.s32 $0x800;
	[dreg:$0xe] =	wrdreg s21;
	s16 =	simm.s32 $0x5000  }
0xf: {  	s18 =	simm.s32 $0x2;
	s19 =	simm.s32 $0x3;
	s20 =	simm.s32 $0x4  }
0x10: {  	s21 =	simm.s32 $0x480;
	s9 =	simm.s32 $0x0;
	s24 =	sshrl.u32 s0, $0x1  }
0x11: {  	s25 =	sshrl.u32 s23, $0x2;
	s23 =	simm.s32 $0x380;
	s2 =	sadd.s32 s6, s2  }
0x12: {  	s22 =	sadd.s32 s8, s7;
	s0 =	ssub.s32 s0, s24;
	s11 =	sadd.s32 s25, s3  }
0x13: {  	s8 =	simm.s32 $0x880;
	[dreg:$0x10] =	wrdreg s23;
	s24 =	simm.s32 $0xB00  }
0x14: {  	s25 =	simm.s32 $0xB80;
	s23 =	simm.s32 $0xC80;
	[dreg:$0x6] =	wrdreg s8  }
0x15: {  	s7 =	simm.s32 $0xF00;
	s2 =	sshrl.u32 s2, $0x3;
	[dreg:$0x11] =	wrdreg s24  }
0x16: {  	s6 =	sshrl.u32 s22, $0x3;
	s0 =	smax.u32 s0, $0x1;
	[dreg:$0x12] =	wrdreg s25  }
0x17: {  	s10 =	sadd.s32 $0x4000, s11;
	s13 =	sadd.s32 $0x8000, s11;
	[dreg:$0x14] =	wrdreg s11  }
0x18: {  	s15 =	sadd.s32 $0xC000, s11;
	s17 =	sadd.s32 $0x10000, s11;
	[dreg:$0x16] =	wrdreg s0  }
0x19: {  	s22 =	simm.s32 $0x300;
	s24 =	simm.s32 $0x500;
	[dreg:$0x17] =	wrdreg s10  }
0x1a: {  	s25 =	simm.s32 $0x580;
	s8 =	simm.s32 $0xF80;
	[dreg:$0x18] =	wrdreg s13  }
0x1b: {  	s2 =	sadd.s32 s2, s5;
	s5 =	sadd.s32 s6, s5;
	[dreg:$0x19] =	wrdreg s15  }
0x1c: {  	[dreg:$0x1a] =	wrdreg s17;
	s13 =	simm.s32 $0x5;
	s15 =	simm.s32 $0x80  }
0x1d: {  	[dreg:$0xf] =	wrdreg s22;
	s17 =	simm.s32 $0x1;
	s26 =	sadd.s32 $0xC600, s2  }
0x1e: {  	s22 =	simm.s32 $0xC00;
	s5 =	sadd.s32 $0x16600, s5;
	[dreg:$0x4] =	wrdreg s26  }
0x1f: {  	s0 =	simm.s32 $0x700;
	s2 =	sadd.s32 $0x2600, s2;
	[dreg:$0x15] =	wrdreg s5  }
0x20: {  	s6 =	simm.s32 $0x780;
	[dreg:$0x5] =	wrdreg s2;
	s26 =	simm.s32 $0x400  }
0x21: {  	v0 =	vimm.f32 $0.0e+00;
	s2 =	simm.s32 $0xE80;
	[dreg:$0x13] =	wrdreg s26;
	s26 =	simm.s32 $0xD00  }
.LBB2_1:
0x22: {  	s5 =	simm.s32 $0x10;
	s10 =	sand.u32 $0x3FF0, s4  }
.LBB2_2:
0x23: {  	p0 =	sne.s32 s5, $0x3FF0;
	[tilespmem:s10+$0x1000] =	vst v0;
	s10 =	smov.u32 s5;
	s5 =	sadd.s32 $0x10, s5  }
.Ltmp0:
0x24: {  	(pc) =	sbr.rel @p0 .LBB2_2-.Ltmp0, $2  }
0x25: {  	_ =	sdelay $0x2  }
0x26: {  	s10 =	sand.u32 $0x3FF0, s10  }
0x27: {  	[dreg:$0x1b] =	wrdreg s9;
	[tilespmem:s10+$0x1000] =	vst v0  }
0x28: {  	[spmem:s11] =	stream.linear.scatter [tilespmem:s12], [sflag:$0x5], $0x4000, $0x38;
	[tilespmem:$0x1D000] =	vst v63  }
0x29: {  	_ =	swait.ge [sflag:s13], $0x4000  }
0x2a: {  	[sflag:s13] =	ssyncset.done $0x0  }
0x2b: {  	s5 =	rddreg [dreg:$0x17];
	[sflag:s13] =	ssyncadd.s32 $0xFFFFC000  }
0x2c: {  	[spmem:s5] =	stream.linear.scatter [tilespmem:s12], [sflag:$0x5], $0x4000, $0x38;
	[tilespmem:$0x1D000] =	vst v63  }
0x2d: {  	_ =	swait.ge [sflag:s13], $0x4000  }
0x2e: {  	[sflag:s13] =	ssyncset.done $0x0  }
0x2f: {  	s11 =	rddreg [dreg:$0x18];
	[sflag:s13] =	ssyncadd.s32 $0xFFFFC000  }
0x30: {  	[spmem:s11] =	stream.linear.scatter [tilespmem:s12], [sflag:$0x5], $0x4000, $0x38;
	[tilespmem:$0x1D000] =	vst v63  }
0x31: {  	_ =	swait.ge [sflag:s13], $0x4000  }
0x32: {  	[sflag:s13] =	ssyncset.done $0x0  }
0x33: {  	s9 =	rddreg [dreg:$0x19];
	[sflag:s13] =	ssyncadd.s32 $0xFFFFC000  }
0x34: {  	[spmem:s9] =	stream.linear.scatter [tilespmem:s12], [sflag:$0x5], $0x4000, $0x38;
	[tilespmem:$0x1D000] =	vst v63  }
0x35: {  	_ =	swait.ge [sflag:s13], $0x4000  }
0x36: {  	[sflag:s13] =	ssyncset.done $0x0  }
0x37: {  	s10 =	rddreg [dreg:$0x1a];
	[sflag:s13] =	ssyncadd.s32 $0xFFFFC000  }
0x38: {  	[spmem:s10] =	stream.linear.scatter [tilespmem:s12], [sflag:$0x5], $0x4000, $0x38;
	[tilespmem:$0x1D000] =	vst v63  }
0x39: {  	_ =	swait.ge [sflag:s13], $0x4000  }
0x3a: {  	[sflag:s13] =	ssyncset.done $0x0  }
0x3b: {  	[sflag:s13] =	ssyncadd.s32 $0xFFFFC000  }
0x3c: {  	[bflag:$0x0] =	sbarrier.arrive $0xFFFF  }
0x3d: {  	s11 =	rddreg [dreg:$0x5]  }
0x3e: {  	s5 =	sadd.s32 $0x0, s11  }
0x3f: {  	[tilespmem:s4], [sflag:$0x5] =	stream.linear.gather [hbm4b:s5+s4], $0x800, $0x38;
	[tilespmem:$0x1D000] =	vst v63  }
0x40: {  	_ =	swait.ge [sflag:s13], $0x800  }
0x41: {  	s9 =	rddreg [dreg:$0x4];
	[sflag:s13] =	ssyncset.done $0x0  }
0x42: {  	[sflag:s13] =	ssyncadd.s32 $0xFFFFF800;
	s5 =	sadd.s32 $0x0, s9  }
0x43: {  	[tilespmem:s14], [sflag:$0x5] =	stream.linear.gather [hbm4b:s5+s4], $0x800, $0x38;
	[tilespmem:$0x1D000] =	vst v63  }
0x44: {  	_ =	swait.ge [sflag:s13], $0x800  }
0x45: {  	[sflag:s13] =	ssyncset.done $0x0  }
0x46: {  	[sflag:s13] =	ssyncadd.s32 $0xFFFFF800  }
0x47: {  	[tilespmem:s12], [sflag:$0x1] =	stream.indirect.gather [hbm4b:s1+s15], $0x80, s4, s15, $0xb8;
	[tilespmem:$0x1D000] =	vst v63  }
0x48: {  	_ = 	snop  }
0x49: {  	[tilespmem:s16], [sflag:$0x2] =	stream.indirect.gather [hbm4b:s1+s15], $0x80, s15, s15, $0xb8;
	[tilespmem:$0x1D000] =	vst v63  }
0x4a: {  	_ =	swait.ge [sflag:s17], $0x4000  }
0x4b: {  	[sflag:s17] =	ssyncset.done $0x0  }
0x4c: {  	[sflag:s17] =	ssyncadd.s32 $0xFFFFC000  }
0x4d: {  	[spmem:s3] =	stream.indirect.scatter.add.f32 [tilespmem:s12], [sflag:$0x3], $0x80, s14, s15, $0xb8;
	[tilespmem:$0x1D000] =	vst v63  }
0x4e: {  	_ =	swait.ge [sflag:s18], $0x4000  }
0x4f: {  	[sflag:s18] =	ssyncset.done $0x0  }
0x50: {  	s10 =	rddreg [dreg:$0x6];
	[sflag:s18] =	ssyncadd.s32 $0xFFFFC000  }
0x51: {  	[spmem:s3] =	stream.indirect.scatter.add.f32 [tilespmem:s16], [sflag:$0x4], $0x80, s10, s15, $0xb8;
	[tilespmem:$0x1D000] =	vst v63  }
0x52: {  	_ =	swait.ge [sflag:s19], $0x4000  }
0x53: {  	[sflag:s19] =	ssyncset.done $0x0  }
0x54: {  	s11 =	rddreg [dreg:$0x7];
	[sflag:s19] =	ssyncadd.s32 $0xFFFFC000  }
0x55: {  	[tilespmem:s12], [sflag:$0x1] =	stream.indirect.gather [hbm4b:s1+s15], $0x80, s11, s15, $0xb8;
	[tilespmem:$0x1D000] =	vst v63  }
0x56: {  	_ =	swait.ge [sflag:s20], $0x4000  }
0x57: {  	[sflag:s20] =	ssyncset.done $0x0  }
0x58: {  	s9 =	rddreg [dreg:$0x8];
	[sflag:s20] =	ssyncadd.s32 $0xFFFFC000  }
0x59: {  	[tilespmem:s16], [sflag:$0x2] =	stream.indirect.gather [hbm4b:s1+s15], $0x80, s9, s15, $0xb8;
	[tilespmem:$0x1D000] =	vst v63  }
0x5a: {  	_ =	swait.ge [sflag:s17], $0x4000  }
0x5b: {  	[sflag:s17] =	ssyncset.done $0x0  }
0x5c: {  	s10 =	rddreg [dreg:$0x9];
	[sflag:s17] =	ssyncadd.s32 $0xFFFFC000  }
0x5d: {  	[spmem:s3] =	stream.indirect.scatter.add.f32 [tilespmem:s12], [sflag:$0x3], $0x80, s10, s15, $0xb8;
	[tilespmem:$0x1D000] =	vst v63  }
0x5e: {  	_ =	swait.ge [sflag:s18], $0x4000  }
0x5f: {  	[sflag:s18] =	ssyncset.done $0x0  }
0x60: {  	s11 =	rddreg [dreg:$0xa];
	[sflag:s18] =	ssyncadd.s32 $0xFFFFC000  }
0x61: {  	[spmem:s3] =	stream.indirect.scatter.add.f32 [tilespmem:s16], [sflag:$0x4], $0x80, s11, s15, $0xb8;
	[tilespmem:$0x1D000] =	vst v63  }
0x62: {  	_ =	swait.ge [sflag:s19], $0x4000  }
0x63: {  	[sflag:s19] =	ssyncset.done $0x0  }
0x64: {  	s9 =	rddreg [dreg:$0xb];
	[sflag:s19] =	ssyncadd.s32 $0xFFFFC000  }
0x65: {  	[tilespmem:s12], [sflag:$0x1] =	stream.indirect.gather [hbm4b:s1+s15], $0x80, s9, s15, $0xb8;
	[tilespmem:$0x1D000] =	vst v63  }
0x66: {  	_ =	swait.ge [sflag:s20], $0x4000  }
0x67: {  	[sflag:s20] =	ssyncset.done $0x0  }
0x68: {  	s10 =	rddreg [dreg:$0xc];
	[sflag:s20] =	ssyncadd.s32 $0xFFFFC000  }
0x69: {  	[tilespmem:s16], [sflag:$0x2] =	stream.indirect.gather [hbm4b:s1+s15], $0x80, s10, s15, $0xb8;
	[tilespmem:$0x1D000] =	vst v63  }
0x6a: {  	_ =	swait.ge [sflag:s17], $0x4000  }
0x6b: {  	[sflag:s17] =	ssyncset.done $0x0  }
0x6c: {  	s11 =	rddreg [dreg:$0xd];
	[sflag:s17] =	ssyncadd.s32 $0xFFFFC000  }
0x6d: {  	[spmem:s3] =	stream.indirect.scatter.add.f32 [tilespmem:s12], [sflag:$0x3], $0x80, s11, s15, $0xb8;
	[tilespmem:$0x1D000] =	vst v63  }
0x6e: {  	_ =	swait.ge [sflag:s18], $0x4000  }
0x6f: {  	[sflag:s18] =	ssyncset.done $0x0  }
0x70: {  	s9 =	rddreg [dreg:$0xe];
	[sflag:s18] =	ssyncadd.s32 $0xFFFFC000  }
0x71: {  	[spmem:s3] =	stream.indirect.scatter.add.f32 [tilespmem:s16], [sflag:$0x4], $0x80, s9, s15, $0xb8;
	[tilespmem:$0x1D000] =	vst v63  }
0x72: {  	_ =	swait.ge [sflag:s19], $0x4000  }
0x73: {  	[sflag:s19] =	ssyncset.done $0x0  }
0x74: {  	s10 =	rddreg [dreg:$0xf];
	[sflag:s19] =	ssyncadd.s32 $0xFFFFC000  }
0x75: {  	[tilespmem:s12], [sflag:$0x1] =	stream.indirect.gather [hbm4b:s1+s15], $0x80, s10, s15, $0xb8;
	[tilespmem:$0x1D000] =	vst v63  }
0x76: {  	_ =	swait.ge [sflag:s20], $0x4000  }
0x77: {  	[sflag:s20] =	ssyncset.done $0x0  }
0x78: {  	s11 =	rddreg [dreg:$0x10];
	[sflag:s20] =	ssyncadd.s32 $0xFFFFC000  }
0x79: {  	[tilespmem:s16], [sflag:$0x2] =	stream.indirect.gather [hbm4b:s1+s15], $0x80, s11, s15, $0xb8;
	[tilespmem:$0x1D000] =	vst v63  }
0x7a: {  	_ =	swait.ge [sflag:s17], $0x4000  }
0x7b: {  	[sflag:s17] =	ssyncset.done $0x0  }
0x7c: {  	s9 =	rddreg [dreg:$0x11];
	[sflag:s17] =	ssyncadd.s32 $0xFFFFC000  }
0x7d: {  	[spmem:s3] =	stream.indirect.scatter.add.f32 [tilespmem:s12], [sflag:$0x3], $0x80, s9, s15, $0xb8;
	[tilespmem:$0x1D000] =	vst v63  }
0x7e: {  	_ =	swait.ge [sflag:s18], $0x4000  }
0x7f: {  	[sflag:s18] =	ssyncset.done $0x0  }
0x80: {  	s10 =	rddreg [dreg:$0x12];
	[sflag:s18] =	ssyncadd.s32 $0xFFFFC000  }
0x81: {  	[spmem:s3] =	stream.indirect.scatter.add.f32 [tilespmem:s16], [sflag:$0x4], $0x80, s10, s15, $0xb8;
	[tilespmem:$0x1D000] =	vst v63  }
0x82: {  	_ =	swait.ge [sflag:s19], $0x4000  }
0x83: {  	[sflag:s19] =	ssyncset.done $0x0  }
0x84: {  	s11 =	rddreg [dreg:$0x13];
	[sflag:s19] =	ssyncadd.s32 $0xFFFFC000  }
0x85: {  	[tilespmem:s12], [sflag:$0x1] =	stream.indirect.gather [hbm4b:s1+s15], $0x80, s11, s15, $0xb8;
	[tilespmem:$0x1D000] =	vst v63  }
0x86: {  	_ =	swait.ge [sflag:s20], $0x4000  }
0x87: {  	[sflag:s20] =	ssyncset.done $0x0  }
0x88: {  	[sflag:s20] =	ssyncadd.s32 $0xFFFFC000  }
0x89: {  	[tilespmem:s16], [sflag:$0x2] =	stream.indirect.gather [hbm4b:s1+s15], $0x80, s21, s15, $0xb8;
	[tilespmem:$0x1D000] =	vst v63  }
0x8a: {  	_ =	swait.ge [sflag:s17], $0x4000  }
0x8b: {  	[sflag:s17] =	ssyncset.done $0x0  }
0x8c: {  	[sflag:s17] =	ssyncadd.s32 $0xFFFFC000  }
0x8d: {  	[spmem:s3] =	stream.indirect.scatter.add.f32 [tilespmem:s12], [sflag:$0x3], $0x80, s22, s15, $0xb8;
	[tilespmem:$0x1D000] =	vst v63  }
0x8e: {  	_ =	swait.ge [sflag:s18], $0x4000  }
0x8f: {  	[sflag:s18] =	ssyncset.done $0x0  }
0x90: {  	[sflag:s18] =	ssyncadd.s32 $0xFFFFC000  }
0x91: {  	[spmem:s3] =	stream.indirect.scatter.add.f32 [tilespmem:s16], [sflag:$0x4], $0x80, s23, s15, $0xb8;
	[tilespmem:$0x1D000] =	vst v63  }
0x92: {  	_ =	swait.ge [sflag:s19], $0x4000  }
0x93: {  	[sflag:s19] =	ssyncset.done $0x0  }
0x94: {  	[sflag:s19] =	ssyncadd.s32 $0xFFFFC000  }
0x95: {  	[tilespmem:s12], [sflag:$0x1] =	stream.indirect.gather [hbm4b:s1+s15], $0x80, s24, s15, $0xb8;
	[tilespmem:$0x1D000] =	vst v63  }
0x96: {  	_ =	swait.ge [sflag:s20], $0x4000  }
0x97: {  	[sflag:s20] =	ssyncset.done $0x0  }
0x98: {  	[sflag:s20] =	ssyncadd.s32 $0xFFFFC000  }
0x99: {  	[tilespmem:s16], [sflag:$0x2] =	stream.indirect.gather [hbm4b:s1+s15], $0x80, s25, s15, $0xb8;
	[tilespmem:$0x1D000] =	vst v63  }
0x9a: {  	_ =	swait.ge [sflag:s17], $0x4000  }
0x9b: {  	[sflag:s17] =	ssyncset.done $0x0  }
0x9c: {  	[sflag:s17] =	ssyncadd.s32 $0xFFFFC000  }
0x9d: {  	[spmem:s3] =	stream.indirect.scatter.add.f32 [tilespmem:s12], [sflag:$0x3], $0x80, s26, s15, $0xb8;
	[tilespmem:$0x1D000] =	vst v63  }
0x9e: {  	_ =	swait.ge [sflag:s18], $0x4000  }
0x9f: {  	[sflag:s18] =	ssyncset.done $0x0  }
0xa0: {  	[sflag:s18] =	ssyncadd.s32 $0xFFFFC000  }
0xa1: {  	[spmem:s3] =	stream.indirect.scatter.add.f32 [tilespmem:s16], [sflag:$0x4], $0x80, s28, s15, $0xb8;
	[tilespmem:$0x1D000] =	vst v63  }
0xa2: {  	_ =	swait.ge [sflag:s19], $0x4000  }
0xa3: {  	[sflag:s19] =	ssyncset.done $0x0  }
0xa4: {  	[sflag:s19] =	ssyncadd.s32 $0xFFFFC000  }
0xa5: {  	[tilespmem:s12], [sflag:$0x1] =	stream.indirect.gather [hbm4b:s1+s15], $0x80, s29, s15, $0xb8;
	[tilespmem:$0x1D000] =	vst v63  }
0xa6: {  	_ =	swait.ge [sflag:s20], $0x4000  }
0xa7: {  	[sflag:s20] =	ssyncset.done $0x0  }
0xa8: {  	[sflag:s20] =	ssyncadd.s32 $0xFFFFC000  }
0xa9: {  	[tilespmem:s16], [sflag:$0x2] =	stream.indirect.gather [hbm4b:s1+s15], $0x80, s30, s15, $0xb8;
	[tilespmem:$0x1D000] =	vst v63  }
0xaa: {  	_ =	swait.ge [sflag:s17], $0x4000  }
0xab: {  	[sflag:s17] =	ssyncset.done $0x0  }
0xac: {  	[sflag:s17] =	ssyncadd.s32 $0xFFFFC000  }
0xad: {  	[spmem:s3] =	stream.indirect.scatter.add.f32 [tilespmem:s12], [sflag:$0x3], $0x80, s31, s15, $0xb8;
	[tilespmem:$0x1D000] =	vst v63  }
0xae: {  	_ =	swait.ge [sflag:s18], $0x4000  }
0xaf: {  	[sflag:s18] =	ssyncset.done $0x0  }
0xb0: {  	[sflag:s18] =	ssyncadd.s32 $0xFFFFC000  }
0xb1: {  	[spmem:s3] =	stream.indirect.scatter.add.f32 [tilespmem:s16], [sflag:$0x4], $0x80, s2, s15, $0xb8;
	[tilespmem:$0x1D000] =	vst v63  }
0xb2: {  	_ =	swait.ge [sflag:s19], $0x4000  }
0xb3: {  	[sflag:s19] =	ssyncset.done $0x0  }
0xb4: {  	[sflag:s19] =	ssyncadd.s32 $0xFFFFC000  }
0xb5: {  	[tilespmem:s12], [sflag:$0x1] =	stream.indirect.gather [hbm4b:s1+s15], $0x80, s0, s15, $0xb8;
	[tilespmem:$0x1D000] =	vst v63  }
0xb6: {  	_ =	swait.ge [sflag:s20], $0x4000  }
0xb7: {  	[sflag:s20] =	ssyncset.done $0x0  }
0xb8: {  	[sflag:s20] =	ssyncadd.s32 $0xFFFFC000  }
0xb9: {  	[tilespmem:s16], [sflag:$0x2] =	stream.indirect.gather [hbm4b:s1+s15], $0x80, s6, s15, $0xb8;
	[tilespmem:$0x1D000] =	vst v63  }
0xba: {  	_ =	swait.ge [sflag:s17], $0x4000  }
0xbb: {  	[sflag:s17] =	ssyncset.done $0x0  }
0xbc: {  	[sflag:s17] =	ssyncadd.s32 $0xFFFFC000  }
0xbd: {  	[spmem:s3] =	stream.indirect.scatter.add.f32 [tilespmem:s12], [sflag:$0x3], $0x80, s7, s15, $0xb8;
	[tilespmem:$0x1D000] =	vst v63  }
0xbe: {  	_ =	swait.ge [sflag:s18], $0x4000  }
0xbf: {  	[sflag:s18] =	ssyncset.done $0x0  }
0xc0: {  	[sflag:s18] =	ssyncadd.s32 $0xFFFFC000  }
0xc1: {  	[spmem:s3] =	stream.indirect.scatter.add.f32 [tilespmem:s16], [sflag:$0x4], $0x80, s8, s15, $0xb8;
	[tilespmem:$0x1D000] =	vst v63  }
0xc2: {  	_ =	swait.ge [sflag:s19], $0x4000  }
0xc3: {  	[sflag:s19] =	ssyncset.done $0x0  }
0xc4: {  	[sflag:s19] =	ssyncadd.s32 $0xFFFFC000  }
0xc5: {  	s10 =	simm.s32 $0x100;
	_ =	swait.ge [sflag:s20], $0x4000  }
0xc6: {  	s11 =	simm.s32 $0x200;
	s5 =	rddreg [dreg:$0x5];
	[sflag:s20] =	ssyncset.done $0x0  }
.LBB2_4:
0xc7: {  	[sflag:s20] =	ssyncadd.s32 $0xFFFFC000;
	s5 =	sadd.s32 s10, s5  }
0xc8: {  	[tilespmem:s4], [sflag:$0x5] =	stream.linear.gather [hbm4b:s5+s4], $0x800, $0x38;
	[tilespmem:$0x1D000] =	vst v63  }
0xc9: {  	_ =	swait.ge [sflag:s13], $0x800  }
0xca: {  	s5 =	rddreg [dreg:$0x4];
	[sflag:s13] =	ssyncset.done $0x0  }
0xcb: {  	[sflag:s13] =	ssyncadd.s32 $0xFFFFF800;
	s5 =	sadd.s32 s10, s5  }
0xcc: {  	[tilespmem:s14], [sflag:$0x5] =	stream.linear.gather [hbm4b:s5+s4], $0x800, $0x38;
	[tilespmem:$0x1D000] =	vst v63  }
0xcd: {  	_ =	swait.ge [sflag:s13], $0x800  }
0xce: {  	[sflag:s13] =	ssyncset.done $0x0  }
0xcf: {  	[sflag:s13] =	ssyncadd.s32 $0xFFFFF800  }
0xd0: {  	[tilespmem:s12], [sflag:$0x1] =	stream.indirect.gather [hbm4b:s1+s15], $0x80, s4, s15, $0xb8;
	[tilespmem:$0x1D000] =	vst v63  }
0xd1: {  	_ = 	snop  }
0xd2: {  	[tilespmem:s16], [sflag:$0x2] =	stream.indirect.gather [hbm4b:s1+s15], $0x80, s15, s15, $0xb8;
	[tilespmem:$0x1D000] =	vst v63  }
0xd3: {  	_ =	swait.ge [sflag:s17], $0x4000  }
0xd4: {  	[sflag:s17] =	ssyncset.done $0x0  }
0xd5: {  	[sflag:s17] =	ssyncadd.s32 $0xFFFFC000  }
0xd6: {  	[spmem:s3] =	stream.indirect.scatter.add.f32 [tilespmem:s12], [sflag:$0x3], $0x80, s14, s15, $0xb8;
	[tilespmem:$0x1D000] =	vst v63  }
0xd7: {  	_ =	swait.ge [sflag:s18], $0x4000  }
0xd8: {  	s9 =	smov.u32 s11;
	[sflag:s18] =	ssyncset.done $0x0  }
0xd9: {  	s10 =	smov.u32 s9;
	s9 =	rddreg [dreg:$0x6];
	[sflag:s18] =	ssyncadd.s32 $0xFFFFC000  }
0xda: {  	[spmem:s3] =	stream.indirect.scatter.add.f32 [tilespmem:s16], [sflag:$0x4], $0x80, s9, s15, $0xb8;
	[tilespmem:$0x1D000] =	vst v63  }
0xdb: {  	_ =	swait.ge [sflag:s19], $0x4000  }
0xdc: {  	[sflag:s19] =	ssyncset.done $0x0  }
0xdd: {  	s9 =	rddreg [dreg:$0x7];
	[sflag:s19] =	ssyncadd.s32 $0xFFFFC000  }
0xde: {  	[tilespmem:s12], [sflag:$0x1] =	stream.indirect.gather [hbm4b:s1+s15], $0x80, s9, s15, $0xb8;
	[tilespmem:$0x1D000] =	vst v63  }
0xdf: {  	_ =	swait.ge [sflag:s20], $0x4000  }
0xe0: {  	[sflag:s20] =	ssyncset.done $0x0  }
0xe1: {  	s9 =	rddreg [dreg:$0x8];
	[sflag:s20] =	ssyncadd.s32 $0xFFFFC000  }
0xe2: {  	[tilespmem:s16], [sflag:$0x2] =	stream.indirect.gather [hbm4b:s1+s15], $0x80, s9, s15, $0xb8;
	[tilespmem:$0x1D000] =	vst v63  }
0xe3: {  	_ =	swait.ge [sflag:s17], $0x4000  }
0xe4: {  	[sflag:s17] =	ssyncset.done $0x0  }
0xe5: {  	s9 =	rddreg [dreg:$0x9];
	[sflag:s17] =	ssyncadd.s32 $0xFFFFC000  }
0xe6: {  	[spmem:s3] =	stream.indirect.scatter.add.f32 [tilespmem:s12], [sflag:$0x3], $0x80, s9, s15, $0xb8;
	[tilespmem:$0x1D000] =	vst v63  }
0xe7: {  	_ =	swait.ge [sflag:s18], $0x4000  }
0xe8: {  	[sflag:s18] =	ssyncset.done $0x0  }
0xe9: {  	s9 =	rddreg [dreg:$0xa];
	[sflag:s18] =	ssyncadd.s32 $0xFFFFC000  }
0xea: {  	[spmem:s3] =	stream.indirect.scatter.add.f32 [tilespmem:s16], [sflag:$0x4], $0x80, s9, s15, $0xb8;
	[tilespmem:$0x1D000] =	vst v63  }
0xeb: {  	_ =	swait.ge [sflag:s19], $0x4000  }
0xec: {  	[sflag:s19] =	ssyncset.done $0x0  }
0xed: {  	s9 =	rddreg [dreg:$0xb];
	[sflag:s19] =	ssyncadd.s32 $0xFFFFC000  }
0xee: {  	[tilespmem:s12], [sflag:$0x1] =	stream.indirect.gather [hbm4b:s1+s15], $0x80, s9, s15, $0xb8;
	[tilespmem:$0x1D000] =	vst v63  }
0xef: {  	_ =	swait.ge [sflag:s20], $0x4000  }
0xf0: {  	[sflag:s20] =	ssyncset.done $0x0  }
0xf1: {  	s9 =	rddreg [dreg:$0xc];
	[sflag:s20] =	ssyncadd.s32 $0xFFFFC000  }
0xf2: {  	[tilespmem:s16], [sflag:$0x2] =	stream.indirect.gather [hbm4b:s1+s15], $0x80, s9, s15, $0xb8;
	[tilespmem:$0x1D000] =	vst v63  }
0xf3: {  	_ =	swait.ge [sflag:s17], $0x4000  }
0xf4: {  	[sflag:s17] =	ssyncset.done $0x0  }
0xf5: {  	s9 =	rddreg [dreg:$0xd];
	[sflag:s17] =	ssyncadd.s32 $0xFFFFC000  }
0xf6: {  	[spmem:s3] =	stream.indirect.scatter.add.f32 [tilespmem:s12], [sflag:$0x3], $0x80, s9, s15, $0xb8;
	[tilespmem:$0x1D000] =	vst v63  }
0xf7: {  	_ =	swait.ge [sflag:s18], $0x4000  }
0xf8: {  	[sflag:s18] =	ssyncset.done $0x0  }
0xf9: {  	s9 =	rddreg [dreg:$0xe];
	[sflag:s18] =	ssyncadd.s32 $0xFFFFC000  }
0xfa: {  	[spmem:s3] =	stream.indirect.scatter.add.f32 [tilespmem:s16], [sflag:$0x4], $0x80, s9, s15, $0xb8;
	[tilespmem:$0x1D000] =	vst v63  }
0xfb: {  	_ =	swait.ge [sflag:s19], $0x4000  }
0xfc: {  	[sflag:s19] =	ssyncset.done $0x0  }
0xfd: {  	s9 =	rddreg [dreg:$0xf];
	[sflag:s19] =	ssyncadd.s32 $0xFFFFC000  }
0xfe: {  	[tilespmem:s12], [sflag:$0x1] =	stream.indirect.gather [hbm4b:s1+s15], $0x80, s9, s15, $0xb8;
	[tilespmem:$0x1D000] =	vst v63  }
0xff: {  	_ =	swait.ge [sflag:s20], $0x4000  }
0x100: {  	[sflag:s20] =	ssyncset.done $0x0  }
0x101: {  	s9 =	rddreg [dreg:$0x10];
	[sflag:s20] =	ssyncadd.s32 $0xFFFFC000  }
0x102: {  	[tilespmem:s16], [sflag:$0x2] =	stream.indirect.gather [hbm4b:s1+s15], $0x80, s9, s15, $0xb8;
	[tilespmem:$0x1D000] =	vst v63  }
0x103: {  	_ =	swait.ge [sflag:s17], $0x4000  }
0x104: {  	[sflag:s17] =	ssyncset.done $0x0  }
0x105: {  	s9 =	rddreg [dreg:$0x11];
	[sflag:s17] =	ssyncadd.s32 $0xFFFFC000  }
0x106: {  	[spmem:s3] =	stream.indirect.scatter.add.f32 [tilespmem:s12], [sflag:$0x3], $0x80, s9, s15, $0xb8;
	[tilespmem:$0x1D000] =	vst v63  }
0x107: {  	_ =	swait.ge [sflag:s18], $0x4000  }
0x108: {  	[sflag:s18] =	ssyncset.done $0x0  }
0x109: {  	s9 =	rddreg [dreg:$0x12];
	[sflag:s18] =	ssyncadd.s32 $0xFFFFC000  }
0x10a: {  	[spmem:s3] =	stream.indirect.scatter.add.f32 [tilespmem:s16], [sflag:$0x4], $0x80, s9, s15, $0xb8;
	[tilespmem:$0x1D000] =	vst v63  }
0x10b: {  	_ =	swait.ge [sflag:s19], $0x4000  }
0x10c: {  	[sflag:s19] =	ssyncset.done $0x0  }
0x10d: {  	s9 =	rddreg [dreg:$0x13];
	[sflag:s19] =	ssyncadd.s32 $0xFFFFC000  }
0x10e: {  	[tilespmem:s12], [sflag:$0x1] =	stream.indirect.gather [hbm4b:s1+s15], $0x80, s9, s15, $0xb8;
	[tilespmem:$0x1D000] =	vst v63  }
0x10f: {  	_ =	swait.ge [sflag:s20], $0x4000  }
0x110: {  	[sflag:s20] =	ssyncset.done $0x0  }
0x111: {  	[sflag:s20] =	ssyncadd.s32 $0xFFFFC000  }
0x112: {  	[tilespmem:s16], [sflag:$0x2] =	stream.indirect.gather [hbm4b:s1+s15], $0x80, s21, s15, $0xb8;
	[tilespmem:$0x1D000] =	vst v63  }
0x113: {  	_ =	swait.ge [sflag:s17], $0x4000  }
0x114: {  	[sflag:s17] =	ssyncset.done $0x0  }
0x115: {  	[sflag:s17] =	ssyncadd.s32 $0xFFFFC000  }
0x116: {  	[spmem:s3] =	stream.indirect.scatter.add.f32 [tilespmem:s12], [sflag:$0x3], $0x80, s22, s15, $0xb8;
	[tilespmem:$0x1D000] =	vst v63  }
0x117: {  	_ =	swait.ge [sflag:s18], $0x4000  }
0x118: {  	[sflag:s18] =	ssyncset.done $0x0  }
0x119: {  	[sflag:s18] =	ssyncadd.s32 $0xFFFFC000  }
0x11a: {  	[spmem:s3] =	stream.indirect.scatter.add.f32 [tilespmem:s16], [sflag:$0x4], $0x80, s23, s15, $0xb8;
	[tilespmem:$0x1D000] =	vst v63  }
0x11b: {  	_ =	swait.ge [sflag:s19], $0x4000  }
0x11c: {  	[sflag:s19] =	ssyncset.done $0x0  }
0x11d: {  	[sflag:s19] =	ssyncadd.s32 $0xFFFFC000  }
0x11e: {  	[tilespmem:s12], [sflag:$0x1] =	stream.indirect.gather [hbm4b:s1+s15], $0x80, s24, s15, $0xb8;
	[tilespmem:$0x1D000] =	vst v63  }
0x11f: {  	_ =	swait.ge [sflag:s20], $0x4000  }
0x120: {  	[sflag:s20] =	ssyncset.done $0x0  }
0x121: {  	[sflag:s20] =	ssyncadd.s32 $0xFFFFC000  }
0x122: {  	[tilespmem:s16], [sflag:$0x2] =	stream.indirect.gather [hbm4b:s1+s15], $0x80, s25, s15, $0xb8;
	[tilespmem:$0x1D000] =	vst v63  }
0x123: {  	_ =	swait.ge [sflag:s17], $0x4000  }
0x124: {  	[sflag:s17] =	ssyncset.done $0x0  }
0x125: {  	[sflag:s17] =	ssyncadd.s32 $0xFFFFC000  }
0x126: {  	[spmem:s3] =	stream.indirect.scatter.add.f32 [tilespmem:s12], [sflag:$0x3], $0x80, s26, s15, $0xb8;
	[tilespmem:$0x1D000] =	vst v63  }
0x127: {  	_ =	swait.ge [sflag:s18], $0x4000  }
0x128: {  	[sflag:s18] =	ssyncset.done $0x0  }
0x129: {  	[sflag:s18] =	ssyncadd.s32 $0xFFFFC000  }
0x12a: {  	[spmem:s3] =	stream.indirect.scatter.add.f32 [tilespmem:s16], [sflag:$0x4], $0x80, s28, s15, $0xb8;
	[tilespmem:$0x1D000] =	vst v63  }
0x12b: {  	_ =	swait.ge [sflag:s19], $0x4000  }
0x12c: {  	[sflag:s19] =	ssyncset.done $0x0  }
0x12d: {  	[sflag:s19] =	ssyncadd.s32 $0xFFFFC000  }
0x12e: {  	[tilespmem:s12], [sflag:$0x1] =	stream.indirect.gather [hbm4b:s1+s15], $0x80, s29, s15, $0xb8;
	[tilespmem:$0x1D000] =	vst v63  }
0x12f: {  	_ =	swait.ge [sflag:s20], $0x4000  }
0x130: {  	[sflag:s20] =	ssyncset.done $0x0  }
0x131: {  	[sflag:s20] =	ssyncadd.s32 $0xFFFFC000  }
0x132: {  	[tilespmem:s16], [sflag:$0x2] =	stream.indirect.gather [hbm4b:s1+s15], $0x80, s30, s15, $0xb8;
	[tilespmem:$0x1D000] =	vst v63  }
0x133: {  	_ =	swait.ge [sflag:s17], $0x4000  }
0x134: {  	[sflag:s17] =	ssyncset.done $0x0  }
0x135: {  	[sflag:s17] =	ssyncadd.s32 $0xFFFFC000  }
0x136: {  	[spmem:s3] =	stream.indirect.scatter.add.f32 [tilespmem:s12], [sflag:$0x3], $0x80, s31, s15, $0xb8;
	[tilespmem:$0x1D000] =	vst v63  }
0x137: {  	_ =	swait.ge [sflag:s18], $0x4000  }
0x138: {  	[sflag:s18] =	ssyncset.done $0x0  }
0x139: {  	[sflag:s18] =	ssyncadd.s32 $0xFFFFC000  }
0x13a: {  	[spmem:s3] =	stream.indirect.scatter.add.f32 [tilespmem:s16], [sflag:$0x4], $0x80, s2, s15, $0xb8;
	[tilespmem:$0x1D000] =	vst v63  }
0x13b: {  	_ =	swait.ge [sflag:s19], $0x4000  }
0x13c: {  	[sflag:s19] =	ssyncset.done $0x0  }
0x13d: {  	[sflag:s19] =	ssyncadd.s32 $0xFFFFC000  }
0x13e: {  	[tilespmem:s12], [sflag:$0x1] =	stream.indirect.gather [hbm4b:s1+s15], $0x80, s0, s15, $0xb8;
	[tilespmem:$0x1D000] =	vst v63  }
0x13f: {  	_ =	swait.ge [sflag:s20], $0x4000  }
0x140: {  	[sflag:s20] =	ssyncset.done $0x0  }
0x141: {  	[sflag:s20] =	ssyncadd.s32 $0xFFFFC000  }
0x142: {  	[tilespmem:s16], [sflag:$0x2] =	stream.indirect.gather [hbm4b:s1+s15], $0x80, s6, s15, $0xb8;
	[tilespmem:$0x1D000] =	vst v63  }
0x143: {  	_ =	swait.ge [sflag:s17], $0x4000  }
0x144: {  	[sflag:s17] =	ssyncset.done $0x0  }
0x145: {  	[sflag:s17] =	ssyncadd.s32 $0xFFFFC000  }
0x146: {  	[spmem:s3] =	stream.indirect.scatter.add.f32 [tilespmem:s12], [sflag:$0x3], $0x80, s7, s15, $0xb8;
	[tilespmem:$0x1D000] =	vst v63  }
0x147: {  	_ =	swait.ge [sflag:s18], $0x4000  }
0x148: {  	[sflag:s18] =	ssyncset.done $0x0  }
0x149: {  	p0 =	sne.s32 s11, $0x400;
	[sflag:s18] =	ssyncadd.s32 $0xFFFFC000  }
0x14a: {  	[spmem:s3] =	stream.indirect.scatter.add.f32 [tilespmem:s16], [sflag:$0x4], $0x80, s8, s15, $0xb8;
	[tilespmem:$0x1D000] =	vst v63  }
.Ltmp1:
0x14b: {  	_ =	swait.ge [sflag:s19], $0x4000;
	(pc) =	sbr.rel @p0 .LBB2_4-.Ltmp1, $4  }
0x14c: {  	[sflag:s19] =	ssyncset.done $0x0  }
0x14d: {  	[sflag:s19] =	ssyncadd.s32 $0xFFFFC000  }
0x14e: {  	_ =	swait.ge [sflag:s20], $0x4000  }
0x14f: {  	s11 =	sadd.s32 $0x100, s11;
	s5 =	rddreg [dreg:$0x5];
	[sflag:s20] =	ssyncset.done $0x0  }
0x150: {  	[sflag:s20] =	ssyncadd.s32 $0xFFFFC000;
	s5 =	sadd.s32 s10, s5  }
0x151: {  	[tilespmem:s4], [sflag:$0x5] =	stream.linear.gather [hbm4b:s5+s4], $0x800, $0x38;
	[tilespmem:$0x1D000] =	vst v63  }
0x152: {  	_ =	swait.ge [sflag:s13], $0x800  }
0x153: {  	s11 =	rddreg [dreg:$0x4];
	[sflag:s13] =	ssyncset.done $0x0  }
0x154: {  	[sflag:s13] =	ssyncadd.s32 $0xFFFFF800;
	s5 =	sadd.s32 s10, s11  }
0x155: {  	[tilespmem:s14], [sflag:$0x5] =	stream.linear.gather [hbm4b:s5+s4], $0x800, $0x38;
	[tilespmem:$0x1D000] =	vst v63  }
0x156: {  	_ =	swait.ge [sflag:s13], $0x800  }
0x157: {  	[sflag:s13] =	ssyncset.done $0x0  }
0x158: {  	[sflag:s13] =	ssyncadd.s32 $0xFFFFF800  }
0x159: {  	[tilespmem:s12], [sflag:$0x1] =	stream.indirect.gather [hbm4b:s1+s15], $0x80, s4, s15, $0xb8;
	[tilespmem:$0x1D000] =	vst v63  }
0x15a: {  	_ = 	snop  }
0x15b: {  	[tilespmem:s16], [sflag:$0x2] =	stream.indirect.gather [hbm4b:s1+s15], $0x80, s15, s15, $0xb8;
	[tilespmem:$0x1D000] =	vst v63  }
0x15c: {  	_ =	swait.ge [sflag:s17], $0x4000  }
0x15d: {  	[sflag:s17] =	ssyncset.done $0x0  }
0x15e: {  	[sflag:s17] =	ssyncadd.s32 $0xFFFFC000  }
0x15f: {  	[spmem:s3] =	stream.indirect.scatter.add.f32 [tilespmem:s12], [sflag:$0x3], $0x80, s14, s15, $0xb8;
	[tilespmem:$0x1D000] =	vst v63  }
0x160: {  	_ =	swait.ge [sflag:s18], $0x4000  }
0x161: {  	[sflag:s18] =	ssyncset.done $0x0  }
0x162: {  	s9 =	rddreg [dreg:$0x6];
	[sflag:s18] =	ssyncadd.s32 $0xFFFFC000  }
0x163: {  	[spmem:s3] =	stream.indirect.scatter.add.f32 [tilespmem:s16], [sflag:$0x4], $0x80, s9, s15, $0xb8;
	[tilespmem:$0x1D000] =	vst v63  }
0x164: {  	_ =	swait.ge [sflag:s19], $0x4000  }
0x165: {  	[sflag:s19] =	ssyncset.done $0x0  }
0x166: {  	s10 =	rddreg [dreg:$0x7];
	[sflag:s19] =	ssyncadd.s32 $0xFFFFC000  }
0x167: {  	[tilespmem:s12], [sflag:$0x1] =	stream.indirect.gather [hbm4b:s1+s15], $0x80, s10, s15, $0xb8;
	[tilespmem:$0x1D000] =	vst v63  }
0x168: {  	_ =	swait.ge [sflag:s20], $0x4000  }
0x169: {  	[sflag:s20] =	ssyncset.done $0x0  }
0x16a: {  	s11 =	rddreg [dreg:$0x8];
	[sflag:s20] =	ssyncadd.s32 $0xFFFFC000  }
0x16b: {  	[tilespmem:s16], [sflag:$0x2] =	stream.indirect.gather [hbm4b:s1+s15], $0x80, s11, s15, $0xb8;
	[tilespmem:$0x1D000] =	vst v63  }
0x16c: {  	_ =	swait.ge [sflag:s17], $0x4000  }
0x16d: {  	[sflag:s17] =	ssyncset.done $0x0  }
0x16e: {  	s9 =	rddreg [dreg:$0x9];
	[sflag:s17] =	ssyncadd.s32 $0xFFFFC000  }
0x16f: {  	[spmem:s3] =	stream.indirect.scatter.add.f32 [tilespmem:s12], [sflag:$0x3], $0x80, s9, s15, $0xb8;
	[tilespmem:$0x1D000] =	vst v63  }
0x170: {  	_ =	swait.ge [sflag:s18], $0x4000  }
0x171: {  	[sflag:s18] =	ssyncset.done $0x0  }
0x172: {  	s10 =	rddreg [dreg:$0xa];
	[sflag:s18] =	ssyncadd.s32 $0xFFFFC000  }
0x173: {  	[spmem:s3] =	stream.indirect.scatter.add.f32 [tilespmem:s16], [sflag:$0x4], $0x80, s10, s15, $0xb8;
	[tilespmem:$0x1D000] =	vst v63  }
0x174: {  	_ =	swait.ge [sflag:s19], $0x4000  }
0x175: {  	[sflag:s19] =	ssyncset.done $0x0  }
0x176: {  	s11 =	rddreg [dreg:$0xb];
	[sflag:s19] =	ssyncadd.s32 $0xFFFFC000  }
0x177: {  	[tilespmem:s12], [sflag:$0x1] =	stream.indirect.gather [hbm4b:s1+s15], $0x80, s11, s15, $0xb8;
	[tilespmem:$0x1D000] =	vst v63  }
0x178: {  	_ =	swait.ge [sflag:s20], $0x4000  }
0x179: {  	[sflag:s20] =	ssyncset.done $0x0  }
0x17a: {  	s9 =	rddreg [dreg:$0xc];
	[sflag:s20] =	ssyncadd.s32 $0xFFFFC000  }
0x17b: {  	[tilespmem:s16], [sflag:$0x2] =	stream.indirect.gather [hbm4b:s1+s15], $0x80, s9, s15, $0xb8;
	[tilespmem:$0x1D000] =	vst v63  }
0x17c: {  	_ =	swait.ge [sflag:s17], $0x4000  }
0x17d: {  	[sflag:s17] =	ssyncset.done $0x0  }
0x17e: {  	s10 =	rddreg [dreg:$0xd];
	[sflag:s17] =	ssyncadd.s32 $0xFFFFC000  }
0x17f: {  	[spmem:s3] =	stream.indirect.scatter.add.f32 [tilespmem:s12], [sflag:$0x3], $0x80, s10, s15, $0xb8;
	[tilespmem:$0x1D000] =	vst v63  }
0x180: {  	_ =	swait.ge [sflag:s18], $0x4000  }
0x181: {  	[sflag:s18] =	ssyncset.done $0x0  }
0x182: {  	s11 =	rddreg [dreg:$0xe];
	[sflag:s18] =	ssyncadd.s32 $0xFFFFC000  }
0x183: {  	[spmem:s3] =	stream.indirect.scatter.add.f32 [tilespmem:s16], [sflag:$0x4], $0x80, s11, s15, $0xb8;
	[tilespmem:$0x1D000] =	vst v63  }
0x184: {  	_ =	swait.ge [sflag:s19], $0x4000  }
0x185: {  	[sflag:s19] =	ssyncset.done $0x0  }
0x186: {  	s9 =	rddreg [dreg:$0xf];
	[sflag:s19] =	ssyncadd.s32 $0xFFFFC000  }
0x187: {  	[tilespmem:s12], [sflag:$0x1] =	stream.indirect.gather [hbm4b:s1+s15], $0x80, s9, s15, $0xb8;
	[tilespmem:$0x1D000] =	vst v63  }
0x188: {  	_ =	swait.ge [sflag:s20], $0x4000  }
0x189: {  	[sflag:s20] =	ssyncset.done $0x0  }
0x18a: {  	s10 =	rddreg [dreg:$0x10];
	[sflag:s20] =	ssyncadd.s32 $0xFFFFC000  }
0x18b: {  	[tilespmem:s16], [sflag:$0x2] =	stream.indirect.gather [hbm4b:s1+s15], $0x80, s10, s15, $0xb8;
	[tilespmem:$0x1D000] =	vst v63  }
0x18c: {  	_ =	swait.ge [sflag:s17], $0x4000  }
0x18d: {  	[sflag:s17] =	ssyncset.done $0x0  }
0x18e: {  	s11 =	rddreg [dreg:$0x11];
	[sflag:s17] =	ssyncadd.s32 $0xFFFFC000  }
0x18f: {  	[spmem:s3] =	stream.indirect.scatter.add.f32 [tilespmem:s12], [sflag:$0x3], $0x80, s11, s15, $0xb8;
	[tilespmem:$0x1D000] =	vst v63  }
0x190: {  	_ =	swait.ge [sflag:s18], $0x4000  }
0x191: {  	[sflag:s18] =	ssyncset.done $0x0  }
0x192: {  	s9 =	rddreg [dreg:$0x12];
	[sflag:s18] =	ssyncadd.s32 $0xFFFFC000  }
0x193: {  	[spmem:s3] =	stream.indirect.scatter.add.f32 [tilespmem:s16], [sflag:$0x4], $0x80, s9, s15, $0xb8;
	[tilespmem:$0x1D000] =	vst v63  }
0x194: {  	_ =	swait.ge [sflag:s19], $0x4000  }
0x195: {  	[sflag:s19] =	ssyncset.done $0x0  }
0x196: {  	s10 =	rddreg [dreg:$0x13];
	[sflag:s19] =	ssyncadd.s32 $0xFFFFC000  }
0x197: {  	[tilespmem:s12], [sflag:$0x1] =	stream.indirect.gather [hbm4b:s1+s15], $0x80, s10, s15, $0xb8;
	[tilespmem:$0x1D000] =	vst v63  }
0x198: {  	_ =	swait.ge [sflag:s20], $0x4000  }
0x199: {  	[sflag:s20] =	ssyncset.done $0x0  }
0x19a: {  	[sflag:s20] =	ssyncadd.s32 $0xFFFFC000  }
0x19b: {  	[tilespmem:s16], [sflag:$0x2] =	stream.indirect.gather [hbm4b:s1+s15], $0x80, s21, s15, $0xb8;
	[tilespmem:$0x1D000] =	vst v63  }
0x19c: {  	_ =	swait.ge [sflag:s17], $0x4000  }
0x19d: {  	[sflag:s17] =	ssyncset.done $0x0  }
0x19e: {  	[sflag:s17] =	ssyncadd.s32 $0xFFFFC000  }
0x19f: {  	[spmem:s3] =	stream.indirect.scatter.add.f32 [tilespmem:s12], [sflag:$0x3], $0x80, s22, s15, $0xb8;
	[tilespmem:$0x1D000] =	vst v63  }
0x1a0: {  	_ =	swait.ge [sflag:s18], $0x4000  }
0x1a1: {  	[sflag:s18] =	ssyncset.done $0x0  }
0x1a2: {  	[sflag:s18] =	ssyncadd.s32 $0xFFFFC000  }
0x1a3: {  	[spmem:s3] =	stream.indirect.scatter.add.f32 [tilespmem:s16], [sflag:$0x4], $0x80, s23, s15, $0xb8;
	[tilespmem:$0x1D000] =	vst v63  }
0x1a4: {  	_ =	swait.ge [sflag:s19], $0x4000  }
0x1a5: {  	[sflag:s19] =	ssyncset.done $0x0  }
0x1a6: {  	[sflag:s19] =	ssyncadd.s32 $0xFFFFC000  }
0x1a7: {  	[tilespmem:s12], [sflag:$0x1] =	stream.indirect.gather [hbm4b:s1+s15], $0x80, s24, s15, $0xb8;
	[tilespmem:$0x1D000] =	vst v63  }
0x1a8: {  	_ =	swait.ge [sflag:s20], $0x4000  }
0x1a9: {  	[sflag:s20] =	ssyncset.done $0x0  }
0x1aa: {  	[sflag:s20] =	ssyncadd.s32 $0xFFFFC000  }
0x1ab: {  	[tilespmem:s16], [sflag:$0x2] =	stream.indirect.gather [hbm4b:s1+s15], $0x80, s25, s15, $0xb8;
	[tilespmem:$0x1D000] =	vst v63  }
0x1ac: {  	_ =	swait.ge [sflag:s17], $0x4000  }
0x1ad: {  	[sflag:s17] =	ssyncset.done $0x0  }
0x1ae: {  	[sflag:s17] =	ssyncadd.s32 $0xFFFFC000  }
0x1af: {  	[spmem:s3] =	stream.indirect.scatter.add.f32 [tilespmem:s12], [sflag:$0x3], $0x80, s26, s15, $0xb8;
	[tilespmem:$0x1D000] =	vst v63  }
0x1b0: {  	_ =	swait.ge [sflag:s18], $0x4000  }
0x1b1: {  	[sflag:s18] =	ssyncset.done $0x0  }
0x1b2: {  	[sflag:s18] =	ssyncadd.s32 $0xFFFFC000  }
0x1b3: {  	[spmem:s3] =	stream.indirect.scatter.add.f32 [tilespmem:s16], [sflag:$0x4], $0x80, s28, s15, $0xb8;
	[tilespmem:$0x1D000] =	vst v63  }
0x1b4: {  	_ =	swait.ge [sflag:s19], $0x4000  }
0x1b5: {  	[sflag:s19] =	ssyncset.done $0x0  }
0x1b6: {  	[sflag:s19] =	ssyncadd.s32 $0xFFFFC000  }
0x1b7: {  	[tilespmem:s12], [sflag:$0x1] =	stream.indirect.gather [hbm4b:s1+s15], $0x80, s29, s15, $0xb8;
	[tilespmem:$0x1D000] =	vst v63  }
0x1b8: {  	_ =	swait.ge [sflag:s20], $0x4000  }
0x1b9: {  	[sflag:s20] =	ssyncset.done $0x0  }
0x1ba: {  	[sflag:s20] =	ssyncadd.s32 $0xFFFFC000  }
0x1bb: {  	[tilespmem:s16], [sflag:$0x2] =	stream.indirect.gather [hbm4b:s1+s15], $0x80, s30, s15, $0xb8;
	[tilespmem:$0x1D000] =	vst v63  }
0x1bc: {  	_ =	swait.ge [sflag:s17], $0x4000  }
0x1bd: {  	[sflag:s17] =	ssyncset.done $0x0  }
0x1be: {  	[sflag:s17] =	ssyncadd.s32 $0xFFFFC000  }
0x1bf: {  	[spmem:s3] =	stream.indirect.scatter.add.f32 [tilespmem:s12], [sflag:$0x3], $0x80, s31, s15, $0xb8;
	[tilespmem:$0x1D000] =	vst v63  }
0x1c0: {  	_ =	swait.ge [sflag:s18], $0x4000  }
0x1c1: {  	[sflag:s18] =	ssyncset.done $0x0  }
0x1c2: {  	[sflag:s18] =	ssyncadd.s32 $0xFFFFC000  }
0x1c3: {  	[spmem:s3] =	stream.indirect.scatter.add.f32 [tilespmem:s16], [sflag:$0x4], $0x80, s2, s15, $0xb8;
	[tilespmem:$0x1D000] =	vst v63  }
0x1c4: {  	_ =	swait.ge [sflag:s19], $0x4000  }
0x1c5: {  	[sflag:s19] =	ssyncset.done $0x0  }
0x1c6: {  	[sflag:s19] =	ssyncadd.s32 $0xFFFFC000  }
0x1c7: {  	[tilespmem:s12], [sflag:$0x1] =	stream.indirect.gather [hbm4b:s1+s15], $0x80, s0, s15, $0xb8;
	[tilespmem:$0x1D000] =	vst v63  }
0x1c8: {  	_ =	swait.ge [sflag:s20], $0x4000  }
0x1c9: {  	[sflag:s20] =	ssyncset.done $0x0  }
0x1ca: {  	[sflag:s20] =	ssyncadd.s32 $0xFFFFC000  }
0x1cb: {  	[tilespmem:s16], [sflag:$0x2] =	stream.indirect.gather [hbm4b:s1+s15], $0x80, s6, s15, $0xb8;
	[tilespmem:$0x1D000] =	vst v63  }
0x1cc: {  	_ =	swait.ge [sflag:s17], $0x4000  }
0x1cd: {  	[sflag:s17] =	ssyncset.done $0x0  }
0x1ce: {  	[sflag:s17] =	ssyncadd.s32 $0xFFFFC000  }
0x1cf: {  	[spmem:s3] =	stream.indirect.scatter.add.f32 [tilespmem:s12], [sflag:$0x3], $0x80, s7, s15, $0xb8;
	[tilespmem:$0x1D000] =	vst v63  }
0x1d0: {  	_ =	swait.ge [sflag:s18], $0x4000  }
0x1d1: {  	[sflag:s18] =	ssyncset.done $0x0  }
0x1d2: {  	[sflag:s18] =	ssyncadd.s32 $0xFFFFC000  }
0x1d3: {  	[spmem:s3] =	stream.indirect.scatter.add.f32 [tilespmem:s16], [sflag:$0x4], $0x80, s8, s15, $0xb8;
	[tilespmem:$0x1D000] =	vst v63  }
0x1d4: {  	_ =	swait.ge [sflag:s19], $0x4000  }
0x1d5: {  	[sflag:s19] =	ssyncset.done $0x0  }
0x1d6: {  	[sflag:s19] =	ssyncadd.s32 $0xFFFFC000  }
0x1d7: {  	_ =	swait.ge [sflag:s20], $0x4000  }
0x1d8: {  	[sflag:s20] =	ssyncset.done $0x0  }
0x1d9: {  	[sflag:s20] =	ssyncadd.s32 $0xFFFFC000  }
0x1da: {  	s11 =	stileid.u32;
	[bflag:$0x0] =	sbarrier.arrive $0xFFFF  }
0x1db: {  	s5 =	sshll.u32 s11, $0x6;
	s11 =	rddreg [dreg:$0x14]  }
0x1dc: {  	s5 =	sor.u32 $0x1C05, s5;
	s10 =	rddreg [dreg:$0x15];
	s9 =	sshrl.u32 s11, $0x3  }
0x1dd: {  	[hbm:s10], [sflag:s5] =	dma.local [spmem:s9], $0x2800  }
0x1de: {  	_ =	swait.ge [sflag:s13], $0x2800  }
0x1df: {  	s5 =	rddreg [dreg:$0x1b]  }
0x1e0: {  	s10 =	rddreg [dreg:$0x16];
	s9 =	sadd.s32 $0x1, s5  }
0x1e1: {  	p0 =	sne.s32 s9, s10  }
.Ltmp2:
0x1e2: {  	_ = 	snop;
	(pc) =	sbr.rel @p0 .LBB2_1-.Ltmp2, $3  }
0x1e3: {  	_ =	sdelay $0x1  }
0x1e4: {  	[sflag:s13] =	ssyncset.done $0x0  }
0x1e5: {  	[sflag:s13] =	ssyncadd.s32 $0xFFFFD800  }
0x1e6: {  	_ =	sfence.sel $0x180000  }
0x1e7: {  	[bflag:$0x0] =	sbarrier.arrive $0xFFFF  }
0x1e8: {  	_ =	strace $0x9000004A  }
0x1e9: {  	s0 =	stileid.u32;
	[bflag:$0x2] =	sbarrier.arrive $0xFFFF  }
0x1ea: {  	p0 =	sne.s32 s0, $0x0;
	s0 =	rddreg [dreg:$0x3]  }
0x1eb: {  	s0 =	sadd.s32 @!p0 $0x100000, s0  }
0x1ec: {  	[sflag:s0] =	ssyncadd.tile.s32 @!p0 $0x1;
	_ =	shalt  }
.Lfunc_end2:
_tile_overlayer_lowered:
.L_overlay_start_2:
0x1ed: {  	(tag) =	ssettag $0x2  }
0x1ee: {  	s0 =	rddreg [dreg:$0x0];
	s2 =	stileid.u32  }
0x1ef: {  	s1 =	rddreg [dreg:$0x1];
	p0 =	sne.s32 s2, $0x0  }
0x1f0: {  	s3 =	rddreg [dreg:$0x2];
	[bflag:$0x3] =	sbarrier.arrive $0xFFFF;
	s2 =	simm.s32 @!p0 $0x1C05  }
0x1f1: {  	[timem:s3], [sflag:s2] =	dma.local @!p0 [hbm:s0], s1  }
0x1f2: {  	s0 =	simm.s32 @!p0 $0x5  }
0x1f3: {  	_ =	swait.ge @!p0 [sflag:s0], s1  }
0x1f4: {  	s1 =	ssub.s32 @!p0 $0x0, s1;
	[sflag:s0] =	ssyncset.done @!p0 $0x0  }
0x1f5: {  	[sflag:s0] =	ssyncadd.s32 @!p0 s1  }
0x1f6: {  	[bflag:$0x3] =	sbarrier.arrive $0xFFFF  }
0x1f7: {  	_ =	shalt  }

</sc_bundles>
